<compile_context>
chip_gen: v7x
topology: tpu7x:2x2x1
jax: 0.10.2.dev20260603
libtpu: 0.0.44.dev20260713+nightly
codegen_flags: <defaults>
</compile_context>

<pallas_src>
import functools

import jax
import jax.numpy as jnp
from jax import lax
from jax.experimental import pallas as pl
from jax.experimental.pallas import tpu as pltpu
from jax.experimental.pallas import tpu_sc as plsc

F = 32768
K = 4097
NTILES = 16
CHUNK = F // NTILES
NVEC = CHUNK // 16
NBINS = 256
NBIN_VECS = NBINS // 16


def _radix_select_body(bits_hbm, out_hbm, shared_hist, data_v, hist_v,
                       mrg_v, out_v):
    sid = lax.axis_index("s")
    base = sid * CHUNK
    pltpu.sync_copy(bits_hbm.at[pl.ds(base, CHUNK)], data_v)

    ones = jnp.ones((16,), jnp.int32)
    zeros16 = jnp.zeros((16,), jnp.int32)
    prefix = jnp.int32(0)
    k_rem = jnp.int32(K)
    n_rem = jnp.int32(F)

    for p in range(4):
        shift = 24 - 8 * p

        def zero_body(i, _):
            hist_v[pl.ds(i * 16, 16)] = zeros16
            return 0
        lax.fori_loop(0, NBIN_VECS, zero_body, 0)

        pfx = prefix

        def scan_body(i, _):
            bits = data_v[pl.ds(i * 16, 16)]
            digit = (bits >> shift) & 255
            if p == 0:
                match = digit == digit
            else:
                match = (bits >> (shift + 8)) == pfx
            plsc.addupdate_scatter(hist_v, [digit], ones, mask=match)
            return 0
        lax.fori_loop(0, NVEC, scan_body, 0, unroll=4)

        pltpu.sync_copy(hist_v, shared_hist.at[sid])
        plsc.subcore_barrier()
        pltpu.sync_copy(shared_hist, mrg_v)
        plsc.subcore_barrier()

        T = n_rem - k_rem

        def find_body(vi, carry):
            run, dvec, cdvec, hdvec = carry
            m = mrg_v[0, pl.ds(vi * 16, 16)]
            for r in range(1, NTILES):
                m = m + mrg_v[r, pl.ds(vi * 16, 16)]
            cum = run + jnp.cumsum(m)
            is_first = (cum > T) & ((cum - m) <= T)
            dvec = dvec + jnp.where(cum <= T, 1, 0).astype(jnp.int32)
            cdvec = cdvec + jnp.where(is_first, cum, zeros16)
            hdvec = hdvec + jnp.where(is_first, m, zeros16)
            run = run + jnp.sum(m)
            return run, dvec, cdvec, hdvec

        _, dvec, cdvec, hdvec = lax.fori_loop(
            0, NBIN_VECS, find_body,
            (jnp.int32(0), zeros16, zeros16, zeros16))
        d = jnp.sum(dvec)
        c_d = jnp.sum(cdvec)
        h_d = jnp.sum(hdvec)
        k_rem = k_rem - (n_rem - c_d)
        n_rem = h_d
        prefix = (prefix << 8) | d

    thresh_bits = prefix

    def mask_body(i, _):
        bits = data_v[pl.ds(i * 16, 16)]
        out_v[pl.ds(i * 16, 16)] = jnp.where(
            bits > thresh_bits, jnp.float32(1.0), jnp.float32(0.0))
        return 0
    lax.fori_loop(0, NVEC, mask_body, 0, unroll=4)

    pltpu.sync_copy(out_v, out_hbm.at[pl.ds(base, CHUNK)])


@jax.jit
def _radix_select(bits):
    mesh = plsc.VectorSubcoreMesh(
        core_axis_name="c", subcore_axis_name="s", num_cores=1)
    kfn = functools.partial(
        pl.kernel,
        mesh=mesh,
        out_type=jax.ShapeDtypeStruct((F,), jnp.float32),
        compiler_params=pltpu.CompilerParams(needs_layout_passes=False),
        scratch_types=[
            pltpu.VMEM_SHARED((NTILES, NBINS), jnp.int32),
            pltpu.VMEM((CHUNK,), jnp.int32),
            pltpu.VMEM((NBINS,), jnp.int32),
            pltpu.VMEM((NTILES, NBINS), jnp.int32),
            pltpu.VMEM((CHUNK,), jnp.float32),
        ],
    )(_radix_select_body)
    return kfn(bits)


def kernel(input_tensor, w):
    bits = lax.bitcast_convert_type(w.reshape(F), jnp.int32)
    mask = _radix_select(bits)
    return mask.reshape(1, F, 1)

# --- scband reference (transcript-rebuilt; emitter-appended) ---
"""Pipeline reference for scband-threshold-mask-7610682048862 (READ-ONLY COPY).

The authoritative reference and input builder live on the scoring server;
editing this copy changes nothing except your own understanding.
"""

import jax, jax.numpy as jnp
import numpy as np

FILTER_SIZE = 32768
SPARSITY = 4096


def setup_inputs(seed: int = 0) -> dict:
    key = jax.random.key(seed)
    k1, k2 = jax.random.split(key)
    input_tensor = jax.random.normal(k1, (32, FILTER_SIZE, 1), dtype=jnp.float32)
    # learned parameter w ~ Uniform[0, 1), shape (1, filter_size, 1), per tf.random_uniform_initializer
    w = jax.random.uniform(k2, (1, FILTER_SIZE, 1), dtype=jnp.float32, minval=0.0, maxval=1.0)
    return {"input_tensor": input_tensor, "w": w}


def reference(input_tensor, w):
    # Faithful translation of ThresholdMask.call (input_tensor is unused by the original layer)
    a = jnp.sort(w, axis=1)                    # ascending sort along filter dim, shape (1, F, 1)
    c = jnp.abs(w)                             # (1, F, 1)
    thresh = a[:, -(SPARSITY + 1)]             # (SPARSITY+1)-th largest value, shape (1, 1)
    bin_w = jnp.where(c > thresh, 1.0, 0.0)    # broadcast (1,1) -> (1, F, 1); binary mask with SPARSITY ones
    return bin_w.astype(jnp.float32)

if __name__ == "__main__":
    import jax
    _d = setup_inputs()
    print(jax.jit(kernel)(*tuple(_d.values())))

</pallas_src>

<mosaic_0001>
#map = affine_map<(d0, d1) -> (0)>
module attributes {stable_mosaic.version = 14 : i64} {
  func.func @_radix_select_body(%arg0: i32, %arg1: i32, %arg2: memref<32768xi32, #tpu.memory_space<hbm>>, %arg3: memref<32768xf32, #tpu.memory_space<hbm>>, %arg4: memref<16x256xi32, #tpu.memory_space<vmem_shared>>, %arg5: memref<2048xi32, #tpu.memory_space<vmem>>, %arg6: memref<256xi32, #tpu.memory_space<vmem>>, %arg7: memref<16x256xi32, #tpu.memory_space<vmem>>, %arg8: memref<2048xf32, #tpu.memory_space<vmem>>) attributes {dimension_semantics = [#tpu.dimension_semantics<core_parallel>, #tpu.dimension_semantics<subcore_parallel>], iteration_bounds = array<i64: 1, 16>, scalar_prefetch = 0 : i64, scratch_operands = 5 : i64, tpu.core_type = #tpu.core_type<sc_vector_subcore>, window_params = [{transform_indices = #map}, {transform_indices = #map}]} {
    %mul3A = arith.constant 2048 : i32
    %mul3A_0 = arith.muli %arg1, %mul3A : i32
    "tpu.region"() ({
      %run_scoped3A = tpu.sem_alloc : memref<!tpu.dma_semaphore, #tpu.memory_space<semaphore_mem>>
      %dma_start3A = tpu.memref_slice %arg2[%mul3A_0] : memref<32768xi32, #tpu.memory_space<hbm>> -> memref<2048xi32, #tpu.memory_space<hbm>>
      %dma_start3A_174 = tpu.memref_slice %arg2[%mul3A_0] : memref<32768xi32, #tpu.memory_space<hbm>> -> memref<2048xi32, #tpu.memory_space<hbm>>
      tpu.enqueue_dma source(%dma_start3A_174 : memref<2048xi32, #tpu.memory_space<hbm>>) target(%arg5 : memref<2048xi32, #tpu.memory_space<vmem>>) target_semaphore(%run_scoped3A : memref<!tpu.dma_semaphore, #tpu.memory_space<semaphore_mem>>)
      %dma_wait3A = tpu.memref_slice %arg2[%mul3A_0] : memref<32768xi32, #tpu.memory_space<hbm>> -> memref<2048xi32, #tpu.memory_space<hbm>>
      %dma_wait3A_175 = tpu.memref_slice %arg2[%mul3A_0] : memref<32768xi32, #tpu.memory_space<hbm>> -> memref<2048xi32, #tpu.memory_space<hbm>>
      tpu.wait_dma2 semaphore(%run_scoped3A : memref<!tpu.dma_semaphore, #tpu.memory_space<semaphore_mem>>) src(%dma_wait3A_175 : memref<2048xi32, #tpu.memory_space<hbm>>) dst(%arg5 : memref<2048xi32, #tpu.memory_space<vmem>>)
      tpu.yield
    }) : () -> ()
    %broadcast_in_dim3A = arith.constant 1 : i32
    %broadcast_in_dim3A_1 = vector.broadcast %broadcast_in_dim3A : i32 to vector<16xi32>
    %broadcast_in_dim3A_2 = arith.constant 0 : i32
    %broadcast_in_dim3A_3 = vector.broadcast %broadcast_in_dim3A_2 : i32 to vector<16xi32>
    %scan3A = arith.constant 0 : i32
    %scan3A_4 = arith.constant 0 : i32
    %scan3A_5 = arith.constant 16 : i32
    %scan3A_6 = arith.addi %scan3A_4, %scan3A_5 : i32
    %scan3A_7 = arith.constant 1 : i32
    %scan3A_8 = scf.for %scan3A_174 = %scan3A_4 to %scan3A_6 step %scan3A_7 iter_args(%scan3A_175 = %scan3A) -> (i32)  : i32 {
      %mul3A_176 = arith.constant 16 : i32
      %mul3A_177 = arith.muli %scan3A_174, %mul3A_176 : i32
      %swap3A = arith.index_cast %mul3A_177 : i32 to index
      %swap3A_178 = tpu.vector_load %arg6[%swap3A] {strides = array<i32>} : memref<256xi32, #tpu.memory_space<vmem>>, vector<16xi32>,
      tpu.vector_store %arg6[%swap3A], %broadcast_in_dim3A_3 {strides = array<i32>} : memref<256xi32, #tpu.memory_space<vmem>>, vector<16xi32>,
      %scan3A_179 = arith.constant 0 : i32
      scf.yield %scan3A_179 : i32
    }
    %scan3A_9 = arith.constant 16 : i32
    %scan3A_10 = arith.constant 0 : i32
    %scan3A_11 = arith.constant 0 : i32
    %scan3A_12 = arith.constant 128 : i32
    %scan3A_13 = arith.addi %scan3A_11, %scan3A_12 : i32
    %scan3A_14 = arith.constant 4 : i32
    %scan3A_15 = scf.for %scan3A_174 = %scan3A_11 to %scan3A_13 step %scan3A_14 iter_args(%scan3A_175 = %scan3A_10) -> (i32)  : i32 {
      %mul3A_176 = arith.constant 16 : i32
      %mul3A_177 = arith.muli %scan3A_174, %mul3A_176 : i32
      %get3A = arith.index_cast %mul3A_177 : i32 to index
      %get3A_178 = tpu.vector_load %arg5[%get3A] {strides = array<i32>} : memref<2048xi32, #tpu.memory_space<vmem>>, vector<16xi32>,
      %shift_right_arithmetic3A = arith.constant 24 : i32
      %shift_right_arithmetic3A_179 = vector.broadcast %shift_right_arithmetic3A : i32 to vector<16xi32>
      %shift_right_arithmetic3A_180 = arith.shrsi %get3A_178, %shift_right_arithmetic3A_179 : vector<16xi32>
      %and3A = arith.constant 255 : i32
      %and3A_181 = vector.broadcast %and3A : i32 to vector<16xi32>
      %and3A_182 = arith.andi %shift_right_arithmetic3A_180, %and3A_181 : vector<16xi32>
      %eq3A = arith.cmpi eq, %and3A_182, %and3A_182 : vector<16xi32>
      tpu.vector_store_idx %arg6[%and3A_182], %broadcast_in_dim3A_1 masked %eq3A {add = true} : memref<256xi32, #tpu.memory_space<vmem>>[vector<16xi32>], vector<16xi32>, vector<16xi1>
      %scan3A_183 = arith.constant 0 : i32
      %scan3A_184 = arith.constant 1 : i32
      %scan3A_185 = arith.addi %scan3A_174, %scan3A_184 : i32
      %mul3A_186 = arith.constant 16 : i32
      %mul3A_187 = arith.muli %scan3A_185, %mul3A_186 : i32
      %get3A_188 = arith.index_cast %mul3A_187 : i32 to index
      %get3A_189 = tpu.vector_load %arg5[%get3A_188] {strides = array<i32>} : memref<2048xi32, #tpu.memory_space<vmem>>, vector<16xi32>,
      %shift_right_arithmetic3A_190 = arith.constant 24 : i32
      %shift_right_arithmetic3A_191 = vector.broadcast %shift_right_arithmetic3A_190 : i32 to vector<16xi32>
      %shift_right_arithmetic3A_192 = arith.shrsi %get3A_189, %shift_right_arithmetic3A_191 : vector<16xi32>
      %and3A_193 = arith.constant 255 : i32
      %and3A_194 = vector.broadcast %and3A_193 : i32 to vector<16xi32>
      %and3A_195 = arith.andi %shift_right_arithmetic3A_192, %and3A_194 : vector<16xi32>
      %eq3A_196 = arith.cmpi eq, %and3A_195, %and3A_195 : vector<16xi32>
      tpu.vector_store_idx %arg6[%and3A_195], %broadcast_in_dim3A_1 masked %eq3A_196 {add = true} : memref<256xi32, #tpu.memory_space<vmem>>[vector<16xi32>], vector<16xi32>, vector<16xi1>
      %scan3A_197 = arith.constant 0 : i32
      %scan3A_198 = arith.constant 2 : i32
      %scan3A_199 = arith.addi %scan3A_174, %scan3A_198 : i32
      %mul3A_200 = arith.constant 16 : i32
      %mul3A_201 = arith.muli %scan3A_199, %mul3A_200 : i32
      %get3A_202 = arith.index_cast %mul3A_201 : i32 to index
      %get3A_203 = tpu.vector_load %arg5[%get3A_202] {strides = array<i32>} : memref<2048xi32, #tpu.memory_space<vmem>>, vector<16xi32>,
      %shift_right_arithmetic3A_204 = arith.constant 24 : i32
      %shift_right_arithmetic3A_205 = vector.broadcast %shift_right_arithmetic3A_204 : i32 to vector<16xi32>
      %shift_right_arithmetic3A_206 = arith.shrsi %get3A_203, %shift_right_arithmetic3A_205 : vector<16xi32>
      %and3A_207 = arith.constant 255 : i32
      %and3A_208 = vector.broadcast %and3A_207 : i32 to vector<16xi32>
      %and3A_209 = arith.andi %shift_right_arithmetic3A_206, %and3A_208 : vector<16xi32>
      %eq3A_210 = arith.cmpi eq, %and3A_209, %and3A_209 : vector<16xi32>
      tpu.vector_store_idx %arg6[%and3A_209], %broadcast_in_dim3A_1 masked %eq3A_210 {add = true} : memref<256xi32, #tpu.memory_space<vmem>>[vector<16xi32>], vector<16xi32>, vector<16xi1>
      %scan3A_211 = arith.constant 0 : i32
      %scan3A_212 = arith.constant 3 : i32
      %scan3A_213 = arith.addi %scan3A_174, %scan3A_212 : i32
      %mul3A_214 = arith.constant 16 : i32
      %mul3A_215 = arith.muli %scan3A_213, %mul3A_214 : i32
      %get3A_216 = arith.index_cast %mul3A_215 : i32 to index
      %get3A_217 = tpu.vector_load %arg5[%get3A_216] {strides = array<i32>} : memref<2048xi32, #tpu.memory_space<vmem>>, vector<16xi32>,
      %shift_right_arithmetic3A_218 = arith.constant 24 : i32
      %shift_right_arithmetic3A_219 = vector.broadcast %shift_right_arithmetic3A_218 : i32 to vector<16xi32>
      %shift_right_arithmetic3A_220 = arith.shrsi %get3A_217, %shift_right_arithmetic3A_219 : vector<16xi32>
      %and3A_221 = arith.constant 255 : i32
      %and3A_222 = vector.broadcast %and3A_221 : i32 to vector<16xi32>
      %and3A_223 = arith.andi %shift_right_arithmetic3A_220, %and3A_222 : vector<16xi32>
      %eq3A_224 = arith.cmpi eq, %and3A_223, %and3A_223 : vector<16xi32>
      tpu.vector_store_idx %arg6[%and3A_223], %broadcast_in_dim3A_1 masked %eq3A_224 {add = true} : memref<256xi32, #tpu.memory_space<vmem>>[vector<16xi32>], vector<16xi32>, vector<16xi1>
      %scan3A_225 = arith.constant 0 : i32
      scf.yield %scan3A_225 : i32
    }
    %scan3A_16 = arith.constant 128 : i32
    "tpu.region"() ({
      %run_scoped3A = tpu.sem_alloc : memref<!tpu.dma_semaphore, #tpu.memory_space<semaphore_mem>>
      %dma_start3A = arith.constant 0 : i32
      %dma_start3A_174 = tpu.memref_slice %arg4[%arg1, %dma_start3A] : memref<16x256xi32, #tpu.memory_space<vmem_shared>> -> memref<1x256xi32, #tpu.memory_space<vmem_shared>>
      %dma_start3A_175 = tpu.memref_squeeze %dma_start3A_174 : memref<1x256xi32, #tpu.memory_space<vmem_shared>> -> memref<256xi32, #tpu.memory_space<vmem_shared>>
      %dma_start3A_176 = arith.constant 0 : i32
      %dma_start3A_177 = tpu.memref_slice %arg4[%arg1, %dma_start3A_176] : memref<16x256xi32, #tpu.memory_space<vmem_shared>> -> memref<1x256xi32, #tpu.memory_space<vmem_shared>>
      %dma_start3A_178 = tpu.memref_squeeze %dma_start3A_177 : memref<1x256xi32, #tpu.memory_space<vmem_shared>> -> memref<256xi32, #tpu.memory_space<vmem_shared>>
      tpu.enqueue_dma source(%arg6 : memref<256xi32, #tpu.memory_space<vmem>>) target(%dma_start3A_178 : memref<256xi32, #tpu.memory_space<vmem_shared>>) target_semaphore(%run_scoped3A : memref<!tpu.dma_semaphore, #tpu.memory_space<semaphore_mem>>)
      %dma_wait3A = arith.constant 0 : i32
      %dma_wait3A_179 = tpu.memref_slice %arg4[%arg1, %dma_wait3A] : memref<16x256xi32, #tpu.memory_space<vmem_shared>> -> memref<1x256xi32, #tpu.memory_space<vmem_shared>>
      %dma_wait3A_180 = tpu.memref_squeeze %dma_wait3A_179 : memref<1x256xi32, #tpu.memory_space<vmem_shared>> -> memref<256xi32, #tpu.memory_space<vmem_shared>>
      %dma_wait3A_181 = arith.constant 0 : i32
      %dma_wait3A_182 = tpu.memref_slice %arg4[%arg1, %dma_wait3A_181] : memref<16x256xi32, #tpu.memory_space<vmem_shared>> -> memref<1x256xi32, #tpu.memory_space<vmem_shared>>
      %dma_wait3A_183 = tpu.memref_squeeze %dma_wait3A_182 : memref<1x256xi32, #tpu.memory_space<vmem_shared>> -> memref<256xi32, #tpu.memory_space<vmem_shared>>
      tpu.wait_dma2 semaphore(%run_scoped3A : memref<!tpu.dma_semaphore, #tpu.memory_space<semaphore_mem>>) src(%arg6 : memref<256xi32, #tpu.memory_space<vmem>>) dst(%dma_wait3A_183 : memref<256xi32, #tpu.memory_space<vmem_shared>>)
      tpu.yield
    }) : () -> ()
    %barrier3A = arith.constant 0 : index
    tpu.barrier barrier_id(%barrier3A)
    "tpu.region"() ({
      %run_scoped3A = tpu.sem_alloc : memref<!tpu.dma_semaphore, #tpu.memory_space<semaphore_mem>>
      tpu.enqueue_dma source(%arg4 : memref<16x256xi32, #tpu.memory_space<vmem_shared>>) target(%arg7 : memref<16x256xi32, #tpu.memory_space<vmem>>) target_semaphore(%run_scoped3A : memref<!tpu.dma_semaphore, #tpu.memory_space<semaphore_mem>>)
      tpu.wait_dma2 semaphore(%run_scoped3A : memref<!tpu.dma_semaphore, #tpu.memory_space<semaphore_mem>>) src(%arg4 : memref<16x256xi32, #tpu.memory_space<vmem_shared>>) dst(%arg7 : memref<16x256xi32, #tpu.memory_space<vmem>>)
      tpu.yield
    }) : () -> ()
    %barrier3A_17 = arith.constant 0 : index
    tpu.barrier barrier_id(%barrier3A_17)
    %sub3A = arith.constant 32768 : i32
    %sub3A_18 = arith.constant 4097 : i32
    %sub3A_19 = arith.subi %sub3A, %sub3A_18 : i32
    %scan3A_20 = arith.constant 0 : i32
    %scan3A_21 = arith.constant 0 : i32
    %scan3A_22 = arith.constant 16 : i32
    %scan3A_23 = arith.addi %scan3A_21, %scan3A_22 : i32
    %scan3A_24 = arith.constant 1 : i32
    %scan3A_25:4 = scf.for %scan3A_174 = %scan3A_21 to %scan3A_23 step %scan3A_24 iter_args(%scan3A_175 = %scan3A_20, %scan3A_176 = %broadcast_in_dim3A_3, %scan3A_177 = %broadcast_in_dim3A_3, %scan3A_178 = %broadcast_in_dim3A_3) -> (i32, vector<16xi32>, vector<16xi32>, vector<16xi32>)  : i32 {
      %mul3A_179 = arith.constant 16 : i32
      %mul3A_180 = arith.muli %scan3A_174, %mul3A_179 : i32
      %get3A = arith.constant 0 : i32
      %get3A_181 = arith.index_cast %get3A : i32 to index
      %get3A_182 = arith.index_cast %mul3A_180 : i32 to index
      %get3A_183 = tpu.vector_load %arg7[%get3A_181, %get3A_182] {strides = array<i32>} : memref<16x256xi32, #tpu.memory_space<vmem>>, vector<16xi32>,
      %mul3A_184 = arith.constant 16 : i32
      %mul3A_185 = arith.muli %scan3A_174, %mul3A_184 : i32
      %get3A_186 = arith.constant 1 : i32
      %get3A_187 = arith.index_cast %get3A_186 : i32 to index
      %get3A_188 = arith.index_cast %mul3A_185 : i32 to index
      %get3A_189 = tpu.vector_load %arg7[%get3A_187, %get3A_188] {strides = array<i32>} : memref<16x256xi32, #tpu.memory_space<vmem>>, vector<16xi32>,
      %add3A = arith.addi %get3A_183, %get3A_189 : vector<16xi32>
      %mul3A_190 = arith.constant 16 : i32
      %mul3A_191 = arith.muli %scan3A_174, %mul3A_190 : i32
      %get3A_192 = arith.constant 2 : i32
      %get3A_193 = arith.index_cast %get3A_192 : i32 to index
      %get3A_194 = arith.index_cast %mul3A_191 : i32 to index
      %get3A_195 = tpu.vector_load %arg7[%get3A_193, %get3A_194] {strides = array<i32>} : memref<16x256xi32, #tpu.memory_space<vmem>>, vector<16xi32>,
      %add3A_196 = arith.addi %add3A, %get3A_195 : vector<16xi32>
      %mul3A_197 = arith.constant 16 : i32
      %mul3A_198 = arith.muli %scan3A_174, %mul3A_197 : i32
      %get3A_199 = arith.constant 3 : i32
      %get3A_200 = arith.index_cast %get3A_199 : i32 to index
      %get3A_201 = arith.index_cast %mul3A_198 : i32 to index
      %get3A_202 = tpu.vector_load %arg7[%get3A_200, %get3A_201] {strides = array<i32>} : memref<16x256xi32, #tpu.memory_space<vmem>>, vector<16xi32>,
      %add3A_203 = arith.addi %add3A_196, %get3A_202 : vector<16xi32>
      %mul3A_204 = arith.constant 16 : i32
      %mul3A_205 = arith.muli %scan3A_174, %mul3A_204 : i32
      %get3A_206 = arith.constant 4 : i32
      %get3A_207 = arith.index_cast %get3A_206 : i32 to index
      %get3A_208 = arith.index_cast %mul3A_205 : i32 to index
      %get3A_209 = tpu.vector_load %arg7[%get3A_207, %get3A_208] {strides = array<i32>} : memref<16x256xi32, #tpu.memory_space<vmem>>, vector<16xi32>,
      %add3A_210 = arith.addi %add3A_203, %get3A_209 : vector<16xi32>
      %mul3A_211 = arith.constant 16 : i32
      %mul3A_212 = arith.muli %scan3A_174, %mul3A_211 : i32
      %get3A_213 = arith.constant 5 : i32
      %get3A_214 = arith.index_cast %get3A_213 : i32 to index
      %get3A_215 = arith.index_cast %mul3A_212 : i32 to index
      %get3A_216 = tpu.vector_load %arg7[%get3A_214, %get3A_215] {strides = array<i32>} : memref<16x256xi32, #tpu.memory_space<vmem>>, vector<16xi32>,
      %add3A_217 = arith.addi %add3A_210, %get3A_216 : vector<16xi32>
      %mul3A_218 = arith.constant 16 : i32
      %mul3A_219 = arith.muli %scan3A_174, %mul3A_218 : i32
      %get3A_220 = arith.constant 6 : i32
      %get3A_221 = arith.index_cast %get3A_220 : i32 to index
      %get3A_222 = arith.index_cast %mul3A_219 : i32 to index
      %get3A_223 = tpu.vector_load %arg7[%get3A_221, %get3A_222] {strides = array<i32>} : memref<16x256xi32, #tpu.memory_space<vmem>>, vector<16xi32>,
      %add3A_224 = arith.addi %add3A_217, %get3A_223 : vector<16xi32>
      %mul3A_225 = arith.constant 16 : i32
      %mul3A_226 = arith.muli %scan3A_174, %mul3A_225 : i32
      %get3A_227 = arith.constant 7 : i32
      %get3A_228 = arith.index_cast %get3A_227 : i32 to index
      %get3A_229 = arith.index_cast %mul3A_226 : i32 to index
      %get3A_230 = tpu.vector_load %arg7[%get3A_228, %get3A_229] {strides = array<i32>} : memref<16x256xi32, #tpu.memory_space<vmem>>, vector<16xi32>,
      %add3A_231 = arith.addi %add3A_224, %get3A_230 : vector<16xi32>
      %mul3A_232 = arith.constant 16 : i32
      %mul3A_233 = arith.muli %scan3A_174, %mul3A_232 : i32
      %get3A_234 = arith.constant 8 : i32
      %get3A_235 = arith.index_cast %get3A_234 : i32 to index
      %get3A_236 = arith.index_cast %mul3A_233 : i32 to index
      %get3A_237 = tpu.vector_load %arg7[%get3A_235, %get3A_236] {strides = array<i32>} : memref<16x256xi32, #tpu.memory_space<vmem>>, vector<16xi32>,
      %add3A_238 = arith.addi %add3A_231, %get3A_237 : vector<16xi32>
      %mul3A_239 = arith.constant 16 : i32
      %mul3A_240 = arith.muli %scan3A_174, %mul3A_239 : i32
      %get3A_241 = arith.constant 9 : i32
      %get3A_242 = arith.index_cast %get3A_241 : i32 to index
      %get3A_243 = arith.index_cast %mul3A_240 : i32 to index
      %get3A_244 = tpu.vector_load %arg7[%get3A_242, %get3A_243] {strides = array<i32>} : memref<16x256xi32, #tpu.memory_space<vmem>>, vector<16xi32>,
      %add3A_245 = arith.addi %add3A_238, %get3A_244 : vector<16xi32>
      %mul3A_246 = arith.constant 16 : i32
      %mul3A_247 = arith.muli %scan3A_174, %mul3A_246 : i32
      %get3A_248 = arith.constant 10 : i32
      %get3A_249 = arith.index_cast %get3A_248 : i32 to index
      %get3A_250 = arith.index_cast %mul3A_247 : i32 to index
      %get3A_251 = tpu.vector_load %arg7[%get3A_249, %get3A_250] {strides = array<i32>} : memref<16x256xi32, #tpu.memory_space<vmem>>, vector<16xi32>,
      %add3A_252 = arith.addi %add3A_245, %get3A_251 : vector<16xi32>
      %mul3A_253 = arith.constant 16 : i32
      %mul3A_254 = arith.muli %scan3A_174, %mul3A_253 : i32
      %get3A_255 = arith.constant 11 : i32
      %get3A_256 = arith.index_cast %get3A_255 : i32 to index
      %get3A_257 = arith.index_cast %mul3A_254 : i32 to index
      %get3A_258 = tpu.vector_load %arg7[%get3A_256, %get3A_257] {strides = array<i32>} : memref<16x256xi32, #tpu.memory_space<vmem>>, vector<16xi32>,
      %add3A_259 = arith.addi %add3A_252, %get3A_258 : vector<16xi32>
      %mul3A_260 = arith.constant 16 : i32
      %mul3A_261 = arith.muli %scan3A_174, %mul3A_260 : i32
      %get3A_262 = arith.constant 12 : i32
      %get3A_263 = arith.index_cast %get3A_262 : i32 to index
      %get3A_264 = arith.index_cast %mul3A_261 : i32 to index
      %get3A_265 = tpu.vector_load %arg7[%get3A_263, %get3A_264] {strides = array<i32>} : memref<16x256xi32, #tpu.memory_space<vmem>>, vector<16xi32>,
      %add3A_266 = arith.addi %add3A_259, %get3A_265 : vector<16xi32>
      %mul3A_267 = arith.constant 16 : i32
      %mul3A_268 = arith.muli %scan3A_174, %mul3A_267 : i32
      %get3A_269 = arith.constant 13 : i32
      %get3A_270 = arith.index_cast %get3A_269 : i32 to index
      %get3A_271 = arith.index_cast %mul3A_268 : i32 to index
      %get3A_272 = tpu.vector_load %arg7[%get3A_270, %get3A_271] {strides = array<i32>} : memref<16x256xi32, #tpu.memory_space<vmem>>, vector<16xi32>,
      %add3A_273 = arith.addi %add3A_266, %get3A_272 : vector<16xi32>
      %mul3A_274 = arith.constant 16 : i32
      %mul3A_275 = arith.muli %scan3A_174, %mul3A_274 : i32
      %get3A_276 = arith.constant 14 : i32
      %get3A_277 = arith.index_cast %get3A_276 : i32 to index
      %get3A_278 = arith.index_cast %mul3A_275 : i32 to index
      %get3A_279 = tpu.vector_load %arg7[%get3A_277, %get3A_278] {strides = array<i32>} : memref<16x256xi32, #tpu.memory_space<vmem>>, vector<16xi32>,
      %add3A_280 = arith.addi %add3A_273, %get3A_279 : vector<16xi32>
      %mul3A_281 = arith.constant 16 : i32
      %mul3A_282 = arith.muli %scan3A_174, %mul3A_281 : i32
      %get3A_283 = arith.constant 15 : i32
      %get3A_284 = arith.index_cast %get3A_283 : i32 to index
      %get3A_285 = arith.index_cast %mul3A_282 : i32 to index
      %get3A_286 = tpu.vector_load %arg7[%get3A_284, %get3A_285] {strides = array<i32>} : memref<16x256xi32, #tpu.memory_space<vmem>>, vector<16xi32>,
      %add3A_287 = arith.addi %add3A_280, %get3A_286 : vector<16xi32>
      %cumsum3A = arith.constant true
      %cumsum3A_288 = vector.broadcast %cumsum3A : i1 to vector<16xi1>
      %cumsum3A_289 = tpu.scan <sum>, %add3A_287 masked %cumsum3A_288 : vector<16xi32>, vector<16xi1> -> vector<16xi32>
      %add3A_290 = vector.broadcast %scan3A_175 : i32 to vector<16xi32>
      %add3A_291 = arith.addi %add3A_290, %cumsum3A_289 : vector<16xi32>
      %gt3A = vector.broadcast %sub3A_19 : i32 to vector<16xi32>
      %gt3A_292 = arith.cmpi sgt, %add3A_291, %gt3A : vector<16xi32>
      %sub3A_293 = arith.subi %add3A_291, %add3A_287 : vector<16xi32>
      %le3A = vector.broadcast %sub3A_19 : i32 to vector<16xi32>
      %le3A_294 = arith.cmpi sle, %sub3A_293, %le3A : vector<16xi32>
      %and3A = arith.andi %gt3A_292, %le3A_294 : vector<16xi1>
      %le3A_295 = vector.broadcast %sub3A_19 : i32 to vector<16xi32>
      %le3A_296 = arith.cmpi sle, %add3A_291, %le3A_295 : vector<16xi32>
      %jit3A = arith.constant 1 : i32
      %jit3A_297 = arith.constant 0 : i32
      %broadcast_in_dim3A_298 = vector.broadcast %jit3A : i32 to vector<16xi32>
      %broadcast_in_dim3A_299 = vector.broadcast %jit3A_297 : i32 to vector<16xi32>
      %select_n3A = arith.select %le3A_296, %broadcast_in_dim3A_298, %broadcast_in_dim3A_299 : vector<16xi1>, vector<16xi32>
      %add3A_300 = arith.addi %scan3A_176, %select_n3A : vector<16xi32>
      %select_n3A_301 = arith.select %and3A, %add3A_291, %broadcast_in_dim3A_3 : vector<16xi1>, vector<16xi32>
      %add3A_302 = arith.addi %scan3A_177, %select_n3A_301 : vector<16xi32>
      %select_n3A_303 = arith.select %and3A, %add3A_287, %broadcast_in_dim3A_3 : vector<16xi1>, vector<16xi32>
      %add3A_304 = arith.addi %scan3A_178, %select_n3A_303 : vector<16xi32>
      %reduce_sum3A_305 = arith.constant true
      %reduce_sum3A_306 = vector.broadcast %reduce_sum3A_305 : i1 to vector<16xi1>
      %reduce_sum3A_307 = tpu.scan <sum>, %add3A_287 masked %reduce_sum3A_306 : vector<16xi32>, vector<16xi1> -> vector<16xi32>
      %reduce_sum3A_308 = vector.extract %reduce_sum3A_307[15] : i32 from vector<16xi32>
      %add3A_309 = arith.addi %scan3A_175, %reduce_sum3A_308 : i32
      scf.yield %add3A_309, %add3A_300, %add3A_302, %add3A_304 : i32, vector<16xi32>, vector<16xi32>, vector<16xi32>
    }
    %scan3A_26 = arith.constant 16 : i32
    %reduce_sum3A = arith.constant true
    %reduce_sum3A_27 = vector.broadcast %reduce_sum3A : i1 to vector<16xi1>
    %reduce_sum3A_28 = tpu.scan <sum>, %scan3A_25#1 masked %reduce_sum3A_27 : vector<16xi32>, vector<16xi1> -> vector<16xi32>
    %reduce_sum3A_29 = vector.extract %reduce_sum3A_28[15] : i32 from vector<16xi32>
    %reduce_sum3A_30 = arith.constant true
    %reduce_sum3A_31 = vector.broadcast %reduce_sum3A_30 : i1 to vector<16xi1>
    %reduce_sum3A_32 = tpu.scan <sum>, %scan3A_25#2 masked %reduce_sum3A_31 : vector<16xi32>, vector<16xi1> -> vector<16xi32>
    %reduce_sum3A_33 = vector.extract %reduce_sum3A_32[15] : i32 from vector<16xi32>
    %reduce_sum3A_34 = arith.constant true
    %reduce_sum3A_35 = vector.broadcast %reduce_sum3A_34 : i1 to vector<16xi1>
    %reduce_sum3A_36 = tpu.scan <sum>, %scan3A_25#3 masked %reduce_sum3A_35 : vector<16xi32>, vector<16xi1> -> vector<16xi32>
    %reduce_sum3A_37 = vector.extract %reduce_sum3A_36[15] : i32 from vector<16xi32>
    %sub3A_38 = arith.constant 32768 : i32
    %sub3A_39 = arith.subi %sub3A_38, %reduce_sum3A_33 : i32
    %sub3A_40 = arith.constant 4097 : i32
    %sub3A_41 = arith.subi %sub3A_40, %sub3A_39 : i32
    %shift_left3A = arith.constant 0 : i32
    %shift_left3A_42 = arith.constant 8 : i32
    %shift_left3A_43 = arith.shli %shift_left3A, %shift_left3A_42 : i32
    %or3A = arith.ori %shift_left3A_43, %reduce_sum3A_29 : i32
    %scan3A_44 = arith.constant 0 : i32
    %scan3A_45 = arith.constant 0 : i32
    %scan3A_46 = arith.constant 16 : i32
    %scan3A_47 = arith.addi %scan3A_45, %scan3A_46 : i32
    %scan3A_48 = arith.constant 1 : i32
    %scan3A_49 = scf.for %scan3A_174 = %scan3A_45 to %scan3A_47 step %scan3A_48 iter_args(%scan3A_175 = %scan3A_44) -> (i32)  : i32 {
      %mul3A_176 = arith.constant 16 : i32
      %mul3A_177 = arith.muli %scan3A_174, %mul3A_176 : i32
      %swap3A = arith.index_cast %mul3A_177 : i32 to index
      %swap3A_178 = tpu.vector_load %arg6[%swap3A] {strides = array<i32>} : memref<256xi32, #tpu.memory_space<vmem>>, vector<16xi32>,
      tpu.vector_store %arg6[%swap3A], %broadcast_in_dim3A_3 {strides = array<i32>} : memref<256xi32, #tpu.memory_space<vmem>>, vector<16xi32>,
      %scan3A_179 = arith.constant 0 : i32
      scf.yield %scan3A_179 : i32
    }
    %scan3A_50 = arith.constant 16 : i32
    %scan3A_51 = arith.constant 0 : i32
    %scan3A_52 = arith.constant 0 : i32
    %scan3A_53 = arith.constant 128 : i32
    %scan3A_54 = arith.addi %scan3A_52, %scan3A_53 : i32
    %scan3A_55 = arith.constant 4 : i32
    %scan3A_56 = scf.for %scan3A_174 = %scan3A_52 to %scan3A_54 step %scan3A_55 iter_args(%scan3A_175 = %scan3A_51) -> (i32)  : i32 {
      %mul3A_176 = arith.constant 16 : i32
      %mul3A_177 = arith.muli %scan3A_174, %mul3A_176 : i32
      %get3A = arith.index_cast %mul3A_177 : i32 to index
      %get3A_178 = tpu.vector_load %arg5[%get3A] {strides = array<i32>} : memref<2048xi32, #tpu.memory_space<vmem>>, vector<16xi32>,
      %shift_right_arithmetic3A = arith.constant 16 : i32
      %shift_right_arithmetic3A_179 = vector.broadcast %shift_right_arithmetic3A : i32 to vector<16xi32>
      %shift_right_arithmetic3A_180 = arith.shrsi %get3A_178, %shift_right_arithmetic3A_179 : vector<16xi32>
      %and3A = arith.constant 255 : i32
      %and3A_181 = vector.broadcast %and3A : i32 to vector<16xi32>
      %and3A_182 = arith.andi %shift_right_arithmetic3A_180, %and3A_181 : vector<16xi32>
      %shift_right_arithmetic3A_183 = arith.constant 24 : i32
      %shift_right_arithmetic3A_184 = vector.broadcast %shift_right_arithmetic3A_183 : i32 to vector<16xi32>
      %shift_right_arithmetic3A_185 = arith.shrsi %get3A_178, %shift_right_arithmetic3A_184 : vector<16xi32>
      %eq3A = vector.broadcast %or3A : i32 to vector<16xi32>
      %eq3A_186 = arith.cmpi eq, %shift_right_arithmetic3A_185, %eq3A : vector<16xi32>
      tpu.vector_store_idx %arg6[%and3A_182], %broadcast_in_dim3A_1 masked %eq3A_186 {add = true} : memref<256xi32, #tpu.memory_space<vmem>>[vector<16xi32>], vector<16xi32>, vector<16xi1>
      %scan3A_187 = arith.constant 0 : i32
      %scan3A_188 = arith.constant 1 : i32
      %scan3A_189 = arith.addi %scan3A_174, %scan3A_188 : i32
      %mul3A_190 = arith.constant 16 : i32
      %mul3A_191 = arith.muli %scan3A_189, %mul3A_190 : i32
      %get3A_192 = arith.index_cast %mul3A_191 : i32 to index
      %get3A_193 = tpu.vector_load %arg5[%get3A_192] {strides = array<i32>} : memref<2048xi32, #tpu.memory_space<vmem>>, vector<16xi32>,
      %shift_right_arithmetic3A_194 = arith.constant 16 : i32
      %shift_right_arithmetic3A_195 = vector.broadcast %shift_right_arithmetic3A_194 : i32 to vector<16xi32>
      %shift_right_arithmetic3A_196 = arith.shrsi %get3A_193, %shift_right_arithmetic3A_195 : vector<16xi32>
      %and3A_197 = arith.constant 255 : i32
      %and3A_198 = vector.broadcast %and3A_197 : i32 to vector<16xi32>
      %and3A_199 = arith.andi %shift_right_arithmetic3A_196, %and3A_198 : vector<16xi32>
      %shift_right_arithmetic3A_200 = arith.constant 24 : i32
      %shift_right_arithmetic3A_201 = vector.broadcast %shift_right_arithmetic3A_200 : i32 to vector<16xi32>
      %shift_right_arithmetic3A_202 = arith.shrsi %get3A_193, %shift_right_arithmetic3A_201 : vector<16xi32>
      %eq3A_203 = vector.broadcast %or3A : i32 to vector<16xi32>
      %eq3A_204 = arith.cmpi eq, %shift_right_arithmetic3A_202, %eq3A_203 : vector<16xi32>
      tpu.vector_store_idx %arg6[%and3A_199], %broadcast_in_dim3A_1 masked %eq3A_204 {add = true} : memref<256xi32, #tpu.memory_space<vmem>>[vector<16xi32>], vector<16xi32>, vector<16xi1>
      %scan3A_205 = arith.constant 0 : i32
      %scan3A_206 = arith.constant 2 : i32
      %scan3A_207 = arith.addi %scan3A_174, %scan3A_206 : i32
      %mul3A_208 = arith.constant 16 : i32
      %mul3A_209 = arith.muli %scan3A_207, %mul3A_208 : i32
      %get3A_210 = arith.index_cast %mul3A_209 : i32 to index
      %get3A_211 = tpu.vector_load %arg5[%get3A_210] {strides = array<i32>} : memref<2048xi32, #tpu.memory_space<vmem>>, vector<16xi32>,
      %shift_right_arithmetic3A_212 = arith.constant 16 : i32
      %shift_right_arithmetic3A_213 = vector.broadcast %shift_right_arithmetic3A_212 : i32 to vector<16xi32>
      %shift_right_arithmetic3A_214 = arith.shrsi %get3A_211, %shift_right_arithmetic3A_213 : vector<16xi32>
      %and3A_215 = arith.constant 255 : i32
      %and3A_216 = vector.broadcast %and3A_215 : i32 to vector<16xi32>
      %and3A_217 = arith.andi %shift_right_arithmetic3A_214, %and3A_216 : vector<16xi32>
      %shift_right_arithmetic3A_218 = arith.constant 24 : i32
      %shift_right_arithmetic3A_219 = vector.broadcast %shift_right_arithmetic3A_218 : i32 to vector<16xi32>
      %shift_right_arithmetic3A_220 = arith.shrsi %get3A_211, %shift_right_arithmetic3A_219 : vector<16xi32>
      %eq3A_221 = vector.broadcast %or3A : i32 to vector<16xi32>
      %eq3A_222 = arith.cmpi eq, %shift_right_arithmetic3A_220, %eq3A_221 : vector<16xi32>
      tpu.vector_store_idx %arg6[%and3A_217], %broadcast_in_dim3A_1 masked %eq3A_222 {add = true} : memref<256xi32, #tpu.memory_space<vmem>>[vector<16xi32>], vector<16xi32>, vector<16xi1>
      %scan3A_223 = arith.constant 0 : i32
      %scan3A_224 = arith.constant 3 : i32
      %scan3A_225 = arith.addi %scan3A_174, %scan3A_224 : i32
      %mul3A_226 = arith.constant 16 : i32
      %mul3A_227 = arith.muli %scan3A_225, %mul3A_226 : i32
      %get3A_228 = arith.index_cast %mul3A_227 : i32 to index
      %get3A_229 = tpu.vector_load %arg5[%get3A_228] {strides = array<i32>} : memref<2048xi32, #tpu.memory_space<vmem>>, vector<16xi32>,
      %shift_right_arithmetic3A_230 = arith.constant 16 : i32
      %shift_right_arithmetic3A_231 = vector.broadcast %shift_right_arithmetic3A_230 : i32 to vector<16xi32>
      %shift_right_arithmetic3A_232 = arith.shrsi %get3A_229, %shift_right_arithmetic3A_231 : vector<16xi32>
      %and3A_233 = arith.constant 255 : i32
      %and3A_234 = vector.broadcast %and3A_233 : i32 to vector<16xi32>
      %and3A_235 = arith.andi %shift_right_arithmetic3A_232, %and3A_234 : vector<16xi32>
      %shift_right_arithmetic3A_236 = arith.constant 24 : i32
      %shift_right_arithmetic3A_237 = vector.broadcast %shift_right_arithmetic3A_236 : i32 to vector<16xi32>
      %shift_right_arithmetic3A_238 = arith.shrsi %get3A_229, %shift_right_arithmetic3A_237 : vector<16xi32>
      %eq3A_239 = vector.broadcast %or3A : i32 to vector<16xi32>
      %eq3A_240 = arith.cmpi eq, %shift_right_arithmetic3A_238, %eq3A_239 : vector<16xi32>
      tpu.vector_store_idx %arg6[%and3A_235], %broadcast_in_dim3A_1 masked %eq3A_240 {add = true} : memref<256xi32, #tpu.memory_space<vmem>>[vector<16xi32>], vector<16xi32>, vector<16xi1>
      %scan3A_241 = arith.constant 0 : i32
      scf.yield %scan3A_241 : i32
    }
    %scan3A_57 = arith.constant 128 : i32
    "tpu.region"() ({
      %run_scoped3A = tpu.sem_alloc : memref<!tpu.dma_semaphore, #tpu.memory_space<semaphore_mem>>
      %dma_start3A = arith.constant 0 : i32
      %dma_start3A_174 = tpu.memref_slice %arg4[%arg1, %dma_start3A] : memref<16x256xi32, #tpu.memory_space<vmem_shared>> -> memref<1x256xi32, #tpu.memory_space<vmem_shared>>
      %dma_start3A_175 = tpu.memref_squeeze %dma_start3A_174 : memref<1x256xi32, #tpu.memory_space<vmem_shared>> -> memref<256xi32, #tpu.memory_space<vmem_shared>>
      %dma_start3A_176 = arith.constant 0 : i32
      %dma_start3A_177 = tpu.memref_slice %arg4[%arg1, %dma_start3A_176] : memref<16x256xi32, #tpu.memory_space<vmem_shared>> -> memref<1x256xi32, #tpu.memory_space<vmem_shared>>
      %dma_start3A_178 = tpu.memref_squeeze %dma_start3A_177 : memref<1x256xi32, #tpu.memory_space<vmem_shared>> -> memref<256xi32, #tpu.memory_space<vmem_shared>>
      tpu.enqueue_dma source(%arg6 : memref<256xi32, #tpu.memory_space<vmem>>) target(%dma_start3A_178 : memref<256xi32, #tpu.memory_space<vmem_shared>>) target_semaphore(%run_scoped3A : memref<!tpu.dma_semaphore, #tpu.memory_space<semaphore_mem>>)
      %dma_wait3A = arith.constant 0 : i32
      %dma_wait3A_179 = tpu.memref_slice %arg4[%arg1, %dma_wait3A] : memref<16x256xi32, #tpu.memory_space<vmem_shared>> -> memref<1x256xi32, #tpu.memory_space<vmem_shared>>
      %dma_wait3A_180 = tpu.memref_squeeze %dma_wait3A_179 : memref<1x256xi32, #tpu.memory_space<vmem_shared>> -> memref<256xi32, #tpu.memory_space<vmem_shared>>
      %dma_wait3A_181 = arith.constant 0 : i32
      %dma_wait3A_182 = tpu.memref_slice %arg4[%arg1, %dma_wait3A_181] : memref<16x256xi32, #tpu.memory_space<vmem_shared>> -> memref<1x256xi32, #tpu.memory_space<vmem_shared>>
      %dma_wait3A_183 = tpu.memref_squeeze %dma_wait3A_182 : memref<1x256xi32, #tpu.memory_space<vmem_shared>> -> memref<256xi32, #tpu.memory_space<vmem_shared>>
      tpu.wait_dma2 semaphore(%run_scoped3A : memref<!tpu.dma_semaphore, #tpu.memory_space<semaphore_mem>>) src(%arg6 : memref<256xi32, #tpu.memory_space<vmem>>) dst(%dma_wait3A_183 : memref<256xi32, #tpu.memory_space<vmem_shared>>)
      tpu.yield
    }) : () -> ()
    %barrier3A_58 = arith.constant 0 : index
    tpu.barrier barrier_id(%barrier3A_58)
    "tpu.region"() ({
      %run_scoped3A = tpu.sem_alloc : memref<!tpu.dma_semaphore, #tpu.memory_space<semaphore_mem>>
      tpu.enqueue_dma source(%arg4 : memref<16x256xi32, #tpu.memory_space<vmem_shared>>) target(%arg7 : memref<16x256xi32, #tpu.memory_space<vmem>>) target_semaphore(%run_scoped3A : memref<!tpu.dma_semaphore, #tpu.memory_space<semaphore_mem>>)
      tpu.wait_dma2 semaphore(%run_scoped3A : memref<!tpu.dma_semaphore, #tpu.memory_space<semaphore_mem>>) src(%arg4 : memref<16x256xi32, #tpu.memory_space<vmem_shared>>) dst(%arg7 : memref<16x256xi32, #tpu.memory_space<vmem>>)
      tpu.yield
    }) : () -> ()
    %barrier3A_59 = arith.constant 0 : index
    tpu.barrier barrier_id(%barrier3A_59)
    %sub3A_60 = arith.subi %reduce_sum3A_37, %sub3A_41 : i32
    %scan3A_61 = arith.constant 0 : i32
    %scan3A_62 = arith.constant 0 : i32
    %scan3A_63 = arith.constant 16 : i32
    %scan3A_64 = arith.addi %scan3A_62, %scan3A_63 : i32
    %scan3A_65 = arith.constant 1 : i32
    %scan3A_66:4 = scf.for %scan3A_174 = %scan3A_62 to %scan3A_64 step %scan3A_65 iter_args(%scan3A_175 = %scan3A_61, %scan3A_176 = %broadcast_in_dim3A_3, %scan3A_177 = %broadcast_in_dim3A_3, %scan3A_178 = %broadcast_in_dim3A_3) -> (i32, vector<16xi32>, vector<16xi32>, vector<16xi32>)  : i32 {
      %mul3A_179 = arith.constant 16 : i32
      %mul3A_180 = arith.muli %scan3A_174, %mul3A_179 : i32
      %get3A = arith.constant 0 : i32
      %get3A_181 = arith.index_cast %get3A : i32 to index
      %get3A_182 = arith.index_cast %mul3A_180 : i32 to index
      %get3A_183 = tpu.vector_load %arg7[%get3A_181, %get3A_182] {strides = array<i32>} : memref<16x256xi32, #tpu.memory_space<vmem>>, vector<16xi32>,
      %mul3A_184 = arith.constant 16 : i32
      %mul3A_185 = arith.muli %scan3A_174, %mul3A_184 : i32
      %get3A_186 = arith.constant 1 : i32
      %get3A_187 = arith.index_cast %get3A_186 : i32 to index
      %get3A_188 = arith.index_cast %mul3A_185 : i32 to index
      %get3A_189 = tpu.vector_load %arg7[%get3A_187, %get3A_188] {strides = array<i32>} : memref<16x256xi32, #tpu.memory_space<vmem>>, vector<16xi32>,
      %add3A = arith.addi %get3A_183, %get3A_189 : vector<16xi32>
      %mul3A_190 = arith.constant 16 : i32
      %mul3A_191 = arith.muli %scan3A_174, %mul3A_190 : i32
      %get3A_192 = arith.constant 2 : i32
      %get3A_193 = arith.index_cast %get3A_192 : i32 to index
      %get3A_194 = arith.index_cast %mul3A_191 : i32 to index
      %get3A_195 = tpu.vector_load %arg7[%get3A_193, %get3A_194] {strides = array<i32>} : memref<16x256xi32, #tpu.memory_space<vmem>>, vector<16xi32>,
      %add3A_196 = arith.addi %add3A, %get3A_195 : vector<16xi32>
      %mul3A_197 = arith.constant 16 : i32
      %mul3A_198 = arith.muli %scan3A_174, %mul3A_197 : i32
      %get3A_199 = arith.constant 3 : i32
      %get3A_200 = arith.index_cast %get3A_199 : i32 to index
      %get3A_201 = arith.index_cast %mul3A_198 : i32 to index
      %get3A_202 = tpu.vector_load %arg7[%get3A_200, %get3A_201] {strides = array<i32>} : memref<16x256xi32, #tpu.memory_space<vmem>>, vector<16xi32>,
      %add3A_203 = arith.addi %add3A_196, %get3A_202 : vector<16xi32>
      %mul3A_204 = arith.constant 16 : i32
      %mul3A_205 = arith.muli %scan3A_174, %mul3A_204 : i32
      %get3A_206 = arith.constant 4 : i32
      %get3A_207 = arith.index_cast %get3A_206 : i32 to index
      %get3A_208 = arith.index_cast %mul3A_205 : i32 to index
      %get3A_209 = tpu.vector_load %arg7[%get3A_207, %get3A_208] {strides = array<i32>} : memref<16x256xi32, #tpu.memory_space<vmem>>, vector<16xi32>,
      %add3A_210 = arith.addi %add3A_203, %get3A_209 : vector<16xi32>
      %mul3A_211 = arith.constant 16 : i32
      %mul3A_212 = arith.muli %scan3A_174, %mul3A_211 : i32
      %get3A_213 = arith.constant 5 : i32
      %get3A_214 = arith.index_cast %get3A_213 : i32 to index
      %get3A_215 = arith.index_cast %mul3A_212 : i32 to index
      %get3A_216 = tpu.vector_load %arg7[%get3A_214, %get3A_215] {strides = array<i32>} : memref<16x256xi32, #tpu.memory_space<vmem>>, vector<16xi32>,
      %add3A_217 = arith.addi %add3A_210, %get3A_216 : vector<16xi32>
      %mul3A_218 = arith.constant 16 : i32
      %mul3A_219 = arith.muli %scan3A_174, %mul3A_218 : i32
      %get3A_220 = arith.constant 6 : i32
      %get3A_221 = arith.index_cast %get3A_220 : i32 to index
      %get3A_222 = arith.index_cast %mul3A_219 : i32 to index
      %get3A_223 = tpu.vector_load %arg7[%get3A_221, %get3A_222] {strides = array<i32>} : memref<16x256xi32, #tpu.memory_space<vmem>>, vector<16xi32>,
      %add3A_224 = arith.addi %add3A_217, %get3A_223 : vector<16xi32>
      %mul3A_225 = arith.constant 16 : i32
      %mul3A_226 = arith.muli %scan3A_174, %mul3A_225 : i32
      %get3A_227 = arith.constant 7 : i32
      %get3A_228 = arith.index_cast %get3A_227 : i32 to index
      %get3A_229 = arith.index_cast %mul3A_226 : i32 to index
      %get3A_230 = tpu.vector_load %arg7[%get3A_228, %get3A_229] {strides = array<i32>} : memref<16x256xi32, #tpu.memory_space<vmem>>, vector<16xi32>,
      %add3A_231 = arith.addi %add3A_224, %get3A_230 : vector<16xi32>
      %mul3A_232 = arith.constant 16 : i32
      %mul3A_233 = arith.muli %scan3A_174, %mul3A_232 : i32
      %get3A_234 = arith.constant 8 : i32
      %get3A_235 = arith.index_cast %get3A_234 : i32 to index
      %get3A_236 = arith.index_cast %mul3A_233 : i32 to index
      %get3A_237 = tpu.vector_load %arg7[%get3A_235, %get3A_236] {strides = array<i32>} : memref<16x256xi32, #tpu.memory_space<vmem>>, vector<16xi32>,
      %add3A_238 = arith.addi %add3A_231, %get3A_237 : vector<16xi32>
      %mul3A_239 = arith.constant 16 : i32
      %mul3A_240 = arith.muli %scan3A_174, %mul3A_239 : i32
      %get3A_241 = arith.constant 9 : i32
      %get3A_242 = arith.index_cast %get3A_241 : i32 to index
      %get3A_243 = arith.index_cast %mul3A_240 : i32 to index
      %get3A_244 = tpu.vector_load %arg7[%get3A_242, %get3A_243] {strides = array<i32>} : memref<16x256xi32, #tpu.memory_space<vmem>>, vector<16xi32>,
      %add3A_245 = arith.addi %add3A_238, %get3A_244 : vector<16xi32>
      %mul3A_246 = arith.constant 16 : i32
      %mul3A_247 = arith.muli %scan3A_174, %mul3A_246 : i32
      %get3A_248 = arith.constant 10 : i32
      %get3A_249 = arith.index_cast %get3A_248 : i32 to index
      %get3A_250 = arith.index_cast %mul3A_247 : i32 to index
      %get3A_251 = tpu.vector_load %arg7[%get3A_249, %get3A_250] {strides = array<i32>} : memref<16x256xi32, #tpu.memory_space<vmem>>, vector<16xi32>,
      %add3A_252 = arith.addi %add3A_245, %get3A_251 : vector<16xi32>
      %mul3A_253 = arith.constant 16 : i32
      %mul3A_254 = arith.muli %scan3A_174, %mul3A_253 : i32
      %get3A_255 = arith.constant 11 : i32
      %get3A_256 = arith.index_cast %get3A_255 : i32 to index
      %get3A_257 = arith.index_cast %mul3A_254 : i32 to index
      %get3A_258 = tpu.vector_load %arg7[%get3A_256, %get3A_257] {strides = array<i32>} : memref<16x256xi32, #tpu.memory_space<vmem>>, vector<16xi32>,
      %add3A_259 = arith.addi %add3A_252, %get3A_258 : vector<16xi32>
      %mul3A_260 = arith.constant 16 : i32
      %mul3A_261 = arith.muli %scan3A_174, %mul3A_260 : i32
      %get3A_262 = arith.constant 12 : i32
      %get3A_263 = arith.index_cast %get3A_262 : i32 to index
      %get3A_264 = arith.index_cast %mul3A_261 : i32 to index
      %get3A_265 = tpu.vector_load %arg7[%get3A_263, %get3A_264] {strides = array<i32>} : memref<16x256xi32, #tpu.memory_space<vmem>>, vector<16xi32>,
      %add3A_266 = arith.addi %add3A_259, %get3A_265 : vector<16xi32>
      %mul3A_267 = arith.constant 16 : i32
      %mul3A_268 = arith.muli %scan3A_174, %mul3A_267 : i32
      %get3A_269 = arith.constant 13 : i32
      %get3A_270 = arith.index_cast %get3A_269 : i32 to index
      %get3A_271 = arith.index_cast %mul3A_268 : i32 to index
      %get3A_272 = tpu.vector_load %arg7[%get3A_270, %get3A_271] {strides = array<i32>} : memref<16x256xi32, #tpu.memory_space<vmem>>, vector<16xi32>,
      %add3A_273 = arith.addi %add3A_266, %get3A_272 : vector<16xi32>
      %mul3A_274 = arith.constant 16 : i32
      %mul3A_275 = arith.muli %scan3A_174, %mul3A_274 : i32
      %get3A_276 = arith.constant 14 : i32
      %get3A_277 = arith.index_cast %get3A_276 : i32 to index
      %get3A_278 = arith.index_cast %mul3A_275 : i32 to index
      %get3A_279 = tpu.vector_load %arg7[%get3A_277, %get3A_278] {strides = array<i32>} : memref<16x256xi32, #tpu.memory_space<vmem>>, vector<16xi32>,
      %add3A_280 = arith.addi %add3A_273, %get3A_279 : vector<16xi32>
      %mul3A_281 = arith.constant 16 : i32
      %mul3A_282 = arith.muli %scan3A_174, %mul3A_281 : i32
      %get3A_283 = arith.constant 15 : i32
      %get3A_284 = arith.index_cast %get3A_283 : i32 to index
      %get3A_285 = arith.index_cast %mul3A_282 : i32 to index
      %get3A_286 = tpu.vector_load %arg7[%get3A_284, %get3A_285] {strides = array<i32>} : memref<16x256xi32, #tpu.memory_space<vmem>>, vector<16xi32>,
      %add3A_287 = arith.addi %add3A_280, %get3A_286 : vector<16xi32>
      %cumsum3A = arith.constant true
      %cumsum3A_288 = vector.broadcast %cumsum3A : i1 to vector<16xi1>
      %cumsum3A_289 = tpu.scan <sum>, %add3A_287 masked %cumsum3A_288 : vector<16xi32>, vector<16xi1> -> vector<16xi32>
      %add3A_290 = vector.broadcast %scan3A_175 : i32 to vector<16xi32>
      %add3A_291 = arith.addi %add3A_290, %cumsum3A_289 : vector<16xi32>
      %gt3A = vector.broadcast %sub3A_60 : i32 to vector<16xi32>
      %gt3A_292 = arith.cmpi sgt, %add3A_291, %gt3A : vector<16xi32>
      %sub3A_293 = arith.subi %add3A_291, %add3A_287 : vector<16xi32>
      %le3A = vector.broadcast %sub3A_60 : i32 to vector<16xi32>
      %le3A_294 = arith.cmpi sle, %sub3A_293, %le3A : vector<16xi32>
      %and3A = arith.andi %gt3A_292, %le3A_294 : vector<16xi1>
      %le3A_295 = vector.broadcast %sub3A_60 : i32 to vector<16xi32>
      %le3A_296 = arith.cmpi sle, %add3A_291, %le3A_295 : vector<16xi32>
      %jit3A = arith.constant 1 : i32
      %jit3A_297 = arith.constant 0 : i32
      %broadcast_in_dim3A_298 = vector.broadcast %jit3A : i32 to vector<16xi32>
      %broadcast_in_dim3A_299 = vector.broadcast %jit3A_297 : i32 to vector<16xi32>
      %select_n3A = arith.select %le3A_296, %broadcast_in_dim3A_298, %broadcast_in_dim3A_299 : vector<16xi1>, vector<16xi32>
      %add3A_300 = arith.addi %scan3A_176, %select_n3A : vector<16xi32>
      %select_n3A_301 = arith.select %and3A, %add3A_291, %broadcast_in_dim3A_3 : vector<16xi1>, vector<16xi32>
      %add3A_302 = arith.addi %scan3A_177, %select_n3A_301 : vector<16xi32>
      %select_n3A_303 = arith.select %and3A, %add3A_287, %broadcast_in_dim3A_3 : vector<16xi1>, vector<16xi32>
      %add3A_304 = arith.addi %scan3A_178, %select_n3A_303 : vector<16xi32>
      %reduce_sum3A_305 = arith.constant true
      %reduce_sum3A_306 = vector.broadcast %reduce_sum3A_305 : i1 to vector<16xi1>
      %reduce_sum3A_307 = tpu.scan <sum>, %add3A_287 masked %reduce_sum3A_306 : vector<16xi32>, vector<16xi1> -> vector<16xi32>
      %reduce_sum3A_308 = vector.extract %reduce_sum3A_307[15] : i32 from vector<16xi32>
      %add3A_309 = arith.addi %scan3A_175, %reduce_sum3A_308 : i32
      scf.yield %add3A_309, %add3A_300, %add3A_302, %add3A_304 : i32, vector<16xi32>, vector<16xi32>, vector<16xi32>
    }
    %scan3A_67 = arith.constant 16 : i32
    %reduce_sum3A_68 = arith.constant true
    %reduce_sum3A_69 = vector.broadcast %reduce_sum3A_68 : i1 to vector<16xi1>
    %reduce_sum3A_70 = tpu.scan <sum>, %scan3A_66#1 masked %reduce_sum3A_69 : vector<16xi32>, vector<16xi1> -> vector<16xi32>
    %reduce_sum3A_71 = vector.extract %reduce_sum3A_70[15] : i32 from vector<16xi32>
    %reduce_sum3A_72 = arith.constant true
    %reduce_sum3A_73 = vector.broadcast %reduce_sum3A_72 : i1 to vector<16xi1>
    %reduce_sum3A_74 = tpu.scan <sum>, %scan3A_66#2 masked %reduce_sum3A_73 : vector<16xi32>, vector<16xi1> -> vector<16xi32>
    %reduce_sum3A_75 = vector.extract %reduce_sum3A_74[15] : i32 from vector<16xi32>
    %reduce_sum3A_76 = arith.constant true
    %reduce_sum3A_77 = vector.broadcast %reduce_sum3A_76 : i1 to vector<16xi1>
    %reduce_sum3A_78 = tpu.scan <sum>, %scan3A_66#3 masked %reduce_sum3A_77 : vector<16xi32>, vector<16xi1> -> vector<16xi32>
    %reduce_sum3A_79 = vector.extract %reduce_sum3A_78[15] : i32 from vector<16xi32>
    %sub3A_80 = arith.subi %reduce_sum3A_37, %reduce_sum3A_75 : i32
    %sub3A_81 = arith.subi %sub3A_41, %sub3A_80 : i32
    %shift_left3A_82 = arith.constant 8 : i32
    %shift_left3A_83 = arith.shli %or3A, %shift_left3A_82 : i32
    %or3A_84 = arith.ori %shift_left3A_83, %reduce_sum3A_71 : i32
    %scan3A_85 = arith.constant 0 : i32
    %scan3A_86 = arith.constant 0 : i32
    %scan3A_87 = arith.constant 16 : i32
    %scan3A_88 = arith.addi %scan3A_86, %scan3A_87 : i32
    %scan3A_89 = arith.constant 1 : i32
    %scan3A_90 = scf.for %scan3A_174 = %scan3A_86 to %scan3A_88 step %scan3A_89 iter_args(%scan3A_175 = %scan3A_85) -> (i32)  : i32 {
      %mul3A_176 = arith.constant 16 : i32
      %mul3A_177 = arith.muli %scan3A_174, %mul3A_176 : i32
      %swap3A = arith.index_cast %mul3A_177 : i32 to index
      %swap3A_178 = tpu.vector_load %arg6[%swap3A] {strides = array<i32>} : memref<256xi32, #tpu.memory_space<vmem>>, vector<16xi32>,
      tpu.vector_store %arg6[%swap3A], %broadcast_in_dim3A_3 {strides = array<i32>} : memref<256xi32, #tpu.memory_space<vmem>>, vector<16xi32>,
      %scan3A_179 = arith.constant 0 : i32
      scf.yield %scan3A_179 : i32
    }
    %scan3A_91 = arith.constant 16 : i32
    %scan3A_92 = arith.constant 0 : i32
    %scan3A_93 = arith.constant 0 : i32
    %scan3A_94 = arith.constant 128 : i32
    %scan3A_95 = arith.addi %scan3A_93, %scan3A_94 : i32
    %scan3A_96 = arith.constant 4 : i32
    %scan3A_97 = scf.for %scan3A_174 = %scan3A_93 to %scan3A_95 step %scan3A_96 iter_args(%scan3A_175 = %scan3A_92) -> (i32)  : i32 {
      %mul3A_176 = arith.constant 16 : i32
      %mul3A_177 = arith.muli %scan3A_174, %mul3A_176 : i32
      %get3A = arith.index_cast %mul3A_177 : i32 to index
      %get3A_178 = tpu.vector_load %arg5[%get3A] {strides = array<i32>} : memref<2048xi32, #tpu.memory_space<vmem>>, vector<16xi32>,
      %shift_right_arithmetic3A = arith.constant 8 : i32
      %shift_right_arithmetic3A_179 = vector.broadcast %shift_right_arithmetic3A : i32 to vector<16xi32>
      %shift_right_arithmetic3A_180 = arith.shrsi %get3A_178, %shift_right_arithmetic3A_179 : vector<16xi32>
      %and3A = arith.constant 255 : i32
      %and3A_181 = vector.broadcast %and3A : i32 to vector<16xi32>
      %and3A_182 = arith.andi %shift_right_arithmetic3A_180, %and3A_181 : vector<16xi32>
      %shift_right_arithmetic3A_183 = arith.constant 16 : i32
      %shift_right_arithmetic3A_184 = vector.broadcast %shift_right_arithmetic3A_183 : i32 to vector<16xi32>
      %shift_right_arithmetic3A_185 = arith.shrsi %get3A_178, %shift_right_arithmetic3A_184 : vector<16xi32>
      %eq3A = vector.broadcast %or3A_84 : i32 to vector<16xi32>
      %eq3A_186 = arith.cmpi eq, %shift_right_arithmetic3A_185, %eq3A : vector<16xi32>
      tpu.vector_store_idx %arg6[%and3A_182], %broadcast_in_dim3A_1 masked %eq3A_186 {add = true} : memref<256xi32, #tpu.memory_space<vmem>>[vector<16xi32>], vector<16xi32>, vector<16xi1>
      %scan3A_187 = arith.constant 0 : i32
      %scan3A_188 = arith.constant 1 : i32
      %scan3A_189 = arith.addi %scan3A_174, %scan3A_188 : i32
      %mul3A_190 = arith.constant 16 : i32
      %mul3A_191 = arith.muli %scan3A_189, %mul3A_190 : i32
      %get3A_192 = arith.index_cast %mul3A_191 : i32 to index
      %get3A_193 = tpu.vector_load %arg5[%get3A_192] {strides = array<i32>} : memref<2048xi32, #tpu.memory_space<vmem>>, vector<16xi32>,
      %shift_right_arithmetic3A_194 = arith.constant 8 : i32
      %shift_right_arithmetic3A_195 = vector.broadcast %shift_right_arithmetic3A_194 : i32 to vector<16xi32>
      %shift_right_arithmetic3A_196 = arith.shrsi %get3A_193, %shift_right_arithmetic3A_195 : vector<16xi32>
      %and3A_197 = arith.constant 255 : i32
      %and3A_198 = vector.broadcast %and3A_197 : i32 to vector<16xi32>
      %and3A_199 = arith.andi %shift_right_arithmetic3A_196, %and3A_198 : vector<16xi32>
      %shift_right_arithmetic3A_200 = arith.constant 16 : i32
      %shift_right_arithmetic3A_201 = vector.broadcast %shift_right_arithmetic3A_200 : i32 to vector<16xi32>
      %shift_right_arithmetic3A_202 = arith.shrsi %get3A_193, %shift_right_arithmetic3A_201 : vector<16xi32>
      %eq3A_203 = vector.broadcast %or3A_84 : i32 to vector<16xi32>
      %eq3A_204 = arith.cmpi eq, %shift_right_arithmetic3A_202, %eq3A_203 : vector<16xi32>
      tpu.vector_store_idx %arg6[%and3A_199], %broadcast_in_dim3A_1 masked %eq3A_204 {add = true} : memref<256xi32, #tpu.memory_space<vmem>>[vector<16xi32>], vector<16xi32>, vector<16xi1>
      %scan3A_205 = arith.constant 0 : i32
      %scan3A_206 = arith.constant 2 : i32
      %scan3A_207 = arith.addi %scan3A_174, %scan3A_206 : i32
      %mul3A_208 = arith.constant 16 : i32
      %mul3A_209 = arith.muli %scan3A_207, %mul3A_208 : i32
      %get3A_210 = arith.index_cast %mul3A_209 : i32 to index
      %get3A_211 = tpu.vector_load %arg5[%get3A_210] {strides = array<i32>} : memref<2048xi32, #tpu.memory_space<vmem>>, vector<16xi32>,
      %shift_right_arithmetic3A_212 = arith.constant 8 : i32
      %shift_right_arithmetic3A_213 = vector.broadcast %shift_right_arithmetic3A_212 : i32 to vector<16xi32>
      %shift_right_arithmetic3A_214 = arith.shrsi %get3A_211, %shift_right_arithmetic3A_213 : vector<16xi32>
      %and3A_215 = arith.constant 255 : i32
      %and3A_216 = vector.broadcast %and3A_215 : i32 to vector<16xi32>
      %and3A_217 = arith.andi %shift_right_arithmetic3A_214, %and3A_216 : vector<16xi32>
      %shift_right_arithmetic3A_218 = arith.constant 16 : i32
      %shift_right_arithmetic3A_219 = vector.broadcast %shift_right_arithmetic3A_218 : i32 to vector<16xi32>
      %shift_right_arithmetic3A_220 = arith.shrsi %get3A_211, %shift_right_arithmetic3A_219 : vector<16xi32>
      %eq3A_221 = vector.broadcast %or3A_84 : i32 to vector<16xi32>
      %eq3A_222 = arith.cmpi eq, %shift_right_arithmetic3A_220, %eq3A_221 : vector<16xi32>
      tpu.vector_store_idx %arg6[%and3A_217], %broadcast_in_dim3A_1 masked %eq3A_222 {add = true} : memref<256xi32, #tpu.memory_space<vmem>>[vector<16xi32>], vector<16xi32>, vector<16xi1>
      %scan3A_223 = arith.constant 0 : i32
      %scan3A_224 = arith.constant 3 : i32
      %scan3A_225 = arith.addi %scan3A_174, %scan3A_224 : i32
      %mul3A_226 = arith.constant 16 : i32
      %mul3A_227 = arith.muli %scan3A_225, %mul3A_226 : i32
      %get3A_228 = arith.index_cast %mul3A_227 : i32 to index
      %get3A_229 = tpu.vector_load %arg5[%get3A_228] {strides = array<i32>} : memref<2048xi32, #tpu.memory_space<vmem>>, vector<16xi32>,
      %shift_right_arithmetic3A_230 = arith.constant 8 : i32
      %shift_right_arithmetic3A_231 = vector.broadcast %shift_right_arithmetic3A_230 : i32 to vector<16xi32>
      %shift_right_arithmetic3A_232 = arith.shrsi %get3A_229, %shift_right_arithmetic3A_231 : vector<16xi32>
      %and3A_233 = arith.constant 255 : i32
      %and3A_234 = vector.broadcast %and3A_233 : i32 to vector<16xi32>
      %and3A_235 = arith.andi %shift_right_arithmetic3A_232, %and3A_234 : vector<16xi32>
      %shift_right_arithmetic3A_236 = arith.constant 16 : i32
      %shift_right_arithmetic3A_237 = vector.broadcast %shift_right_arithmetic3A_236 : i32 to vector<16xi32>
      %shift_right_arithmetic3A_238 = arith.shrsi %get3A_229, %shift_right_arithmetic3A_237 : vector<16xi32>
      %eq3A_239 = vector.broadcast %or3A_84 : i32 to vector<16xi32>
      %eq3A_240 = arith.cmpi eq, %shift_right_arithmetic3A_238, %eq3A_239 : vector<16xi32>
      tpu.vector_store_idx %arg6[%and3A_235], %broadcast_in_dim3A_1 masked %eq3A_240 {add = true} : memref<256xi32, #tpu.memory_space<vmem>>[vector<16xi32>], vector<16xi32>, vector<16xi1>
      %scan3A_241 = arith.constant 0 : i32
      scf.yield %scan3A_241 : i32
    }
    %scan3A_98 = arith.constant 128 : i32
    "tpu.region"() ({
      %run_scoped3A = tpu.sem_alloc : memref<!tpu.dma_semaphore, #tpu.memory_space<semaphore_mem>>
      %dma_start3A = arith.constant 0 : i32
      %dma_start3A_174 = tpu.memref_slice %arg4[%arg1, %dma_start3A] : memref<16x256xi32, #tpu.memory_space<vmem_shared>> -> memref<1x256xi32, #tpu.memory_space<vmem_shared>>
      %dma_start3A_175 = tpu.memref_squeeze %dma_start3A_174 : memref<1x256xi32, #tpu.memory_space<vmem_shared>> -> memref<256xi32, #tpu.memory_space<vmem_shared>>
      %dma_start3A_176 = arith.constant 0 : i32
      %dma_start3A_177 = tpu.memref_slice %arg4[%arg1, %dma_start3A_176] : memref<16x256xi32, #tpu.memory_space<vmem_shared>> -> memref<1x256xi32, #tpu.memory_space<vmem_shared>>
      %dma_start3A_178 = tpu.memref_squeeze %dma_start3A_177 : memref<1x256xi32, #tpu.memory_space<vmem_shared>> -> memref<256xi32, #tpu.memory_space<vmem_shared>>
      tpu.enqueue_dma source(%arg6 : memref<256xi32, #tpu.memory_space<vmem>>) target(%dma_start3A_178 : memref<256xi32, #tpu.memory_space<vmem_shared>>) target_semaphore(%run_scoped3A : memref<!tpu.dma_semaphore, #tpu.memory_space<semaphore_mem>>)
      %dma_wait3A = arith.constant 0 : i32
      %dma_wait3A_179 = tpu.memref_slice %arg4[%arg1, %dma_wait3A] : memref<16x256xi32, #tpu.memory_space<vmem_shared>> -> memref<1x256xi32, #tpu.memory_space<vmem_shared>>
      %dma_wait3A_180 = tpu.memref_squeeze %dma_wait3A_179 : memref<1x256xi32, #tpu.memory_space<vmem_shared>> -> memref<256xi32, #tpu.memory_space<vmem_shared>>
      %dma_wait3A_181 = arith.constant 0 : i32
      %dma_wait3A_182 = tpu.memref_slice %arg4[%arg1, %dma_wait3A_181] : memref<16x256xi32, #tpu.memory_space<vmem_shared>> -> memref<1x256xi32, #tpu.memory_space<vmem_shared>>
      %dma_wait3A_183 = tpu.memref_squeeze %dma_wait3A_182 : memref<1x256xi32, #tpu.memory_space<vmem_shared>> -> memref<256xi32, #tpu.memory_space<vmem_shared>>
      tpu.wait_dma2 semaphore(%run_scoped3A : memref<!tpu.dma_semaphore, #tpu.memory_space<semaphore_mem>>) src(%arg6 : memref<256xi32, #tpu.memory_space<vmem>>) dst(%dma_wait3A_183 : memref<256xi32, #tpu.memory_space<vmem_shared>>)
      tpu.yield
    }) : () -> ()
    %barrier3A_99 = arith.constant 0 : index
    tpu.barrier barrier_id(%barrier3A_99)
    "tpu.region"() ({
      %run_scoped3A = tpu.sem_alloc : memref<!tpu.dma_semaphore, #tpu.memory_space<semaphore_mem>>
      tpu.enqueue_dma source(%arg4 : memref<16x256xi32, #tpu.memory_space<vmem_shared>>) target(%arg7 : memref<16x256xi32, #tpu.memory_space<vmem>>) target_semaphore(%run_scoped3A : memref<!tpu.dma_semaphore, #tpu.memory_space<semaphore_mem>>)
      tpu.wait_dma2 semaphore(%run_scoped3A : memref<!tpu.dma_semaphore, #tpu.memory_space<semaphore_mem>>) src(%arg4 : memref<16x256xi32, #tpu.memory_space<vmem_shared>>) dst(%arg7 : memref<16x256xi32, #tpu.memory_space<vmem>>)
      tpu.yield
    }) : () -> ()
    %barrier3A_100 = arith.constant 0 : index
    tpu.barrier barrier_id(%barrier3A_100)
    %sub3A_101 = arith.subi %reduce_sum3A_79, %sub3A_81 : i32
    %scan3A_102 = arith.constant 0 : i32
    %scan3A_103 = arith.constant 0 : i32
    %scan3A_104 = arith.constant 16 : i32
    %scan3A_105 = arith.addi %scan3A_103, %scan3A_104 : i32
    %scan3A_106 = arith.constant 1 : i32
    %scan3A_107:4 = scf.for %scan3A_174 = %scan3A_103 to %scan3A_105 step %scan3A_106 iter_args(%scan3A_175 = %scan3A_102, %scan3A_176 = %broadcast_in_dim3A_3, %scan3A_177 = %broadcast_in_dim3A_3, %scan3A_178 = %broadcast_in_dim3A_3) -> (i32, vector<16xi32>, vector<16xi32>, vector<16xi32>)  : i32 {
      %mul3A_179 = arith.constant 16 : i32
      %mul3A_180 = arith.muli %scan3A_174, %mul3A_179 : i32
      %get3A = arith.constant 0 : i32
      %get3A_181 = arith.index_cast %get3A : i32 to index
      %get3A_182 = arith.index_cast %mul3A_180 : i32 to index
      %get3A_183 = tpu.vector_load %arg7[%get3A_181, %get3A_182] {strides = array<i32>} : memref<16x256xi32, #tpu.memory_space<vmem>>, vector<16xi32>,
      %mul3A_184 = arith.constant 16 : i32
      %mul3A_185 = arith.muli %scan3A_174, %mul3A_184 : i32
      %get3A_186 = arith.constant 1 : i32
      %get3A_187 = arith.index_cast %get3A_186 : i32 to index
      %get3A_188 = arith.index_cast %mul3A_185 : i32 to index
      %get3A_189 = tpu.vector_load %arg7[%get3A_187, %get3A_188] {strides = array<i32>} : memref<16x256xi32, #tpu.memory_space<vmem>>, vector<16xi32>,
      %add3A = arith.addi %get3A_183, %get3A_189 : vector<16xi32>
      %mul3A_190 = arith.constant 16 : i32
      %mul3A_191 = arith.muli %scan3A_174, %mul3A_190 : i32
      %get3A_192 = arith.constant 2 : i32
      %get3A_193 = arith.index_cast %get3A_192 : i32 to index
      %get3A_194 = arith.index_cast %mul3A_191 : i32 to index
      %get3A_195 = tpu.vector_load %arg7[%get3A_193, %get3A_194] {strides = array<i32>} : memref<16x256xi32, #tpu.memory_space<vmem>>, vector<16xi32>,
      %add3A_196 = arith.addi %add3A, %get3A_195 : vector<16xi32>
      %mul3A_197 = arith.constant 16 : i32
      %mul3A_198 = arith.muli %scan3A_174, %mul3A_197 : i32
      %get3A_199 = arith.constant 3 : i32
      %get3A_200 = arith.index_cast %get3A_199 : i32 to index
      %get3A_201 = arith.index_cast %mul3A_198 : i32 to index
      %get3A_202 = tpu.vector_load %arg7[%get3A_200, %get3A_201] {strides = array<i32>} : memref<16x256xi32, #tpu.memory_space<vmem>>, vector<16xi32>,
      %add3A_203 = arith.addi %add3A_196, %get3A_202 : vector<16xi32>
      %mul3A_204 = arith.constant 16 : i32
      %mul3A_205 = arith.muli %scan3A_174, %mul3A_204 : i32
      %get3A_206 = arith.constant 4 : i32
      %get3A_207 = arith.index_cast %get3A_206 : i32 to index
      %get3A_208 = arith.index_cast %mul3A_205 : i32 to index
      %get3A_209 = tpu.vector_load %arg7[%get3A_207, %get3A_208] {strides = array<i32>} : memref<16x256xi32, #tpu.memory_space<vmem>>, vector<16xi32>,
      %add3A_210 = arith.addi %add3A_203, %get3A_209 : vector<16xi32>
      %mul3A_211 = arith.constant 16 : i32
      %mul3A_212 = arith.muli %scan3A_174, %mul3A_211 : i32
      %get3A_213 = arith.constant 5 : i32
      %get3A_214 = arith.index_cast %get3A_213 : i32 to index
      %get3A_215 = arith.index_cast %mul3A_212 : i32 to index
      %get3A_216 = tpu.vector_load %arg7[%get3A_214, %get3A_215] {strides = array<i32>} : memref<16x256xi32, #tpu.memory_space<vmem>>, vector<16xi32>,
      %add3A_217 = arith.addi %add3A_210, %get3A_216 : vector<16xi32>
      %mul3A_218 = arith.constant 16 : i32
      %mul3A_219 = arith.muli %scan3A_174, %mul3A_218 : i32
      %get3A_220 = arith.constant 6 : i32
      %get3A_221 = arith.index_cast %get3A_220 : i32 to index
      %get3A_222 = arith.index_cast %mul3A_219 : i32 to index
      %get3A_223 = tpu.vector_load %arg7[%get3A_221, %get3A_222] {strides = array<i32>} : memref<16x256xi32, #tpu.memory_space<vmem>>, vector<16xi32>,
      %add3A_224 = arith.addi %add3A_217, %get3A_223 : vector<16xi32>
      %mul3A_225 = arith.constant 16 : i32
      %mul3A_226 = arith.muli %scan3A_174, %mul3A_225 : i32
      %get3A_227 = arith.constant 7 : i32
      %get3A_228 = arith.index_cast %get3A_227 : i32 to index
      %get3A_229 = arith.index_cast %mul3A_226 : i32 to index
      %get3A_230 = tpu.vector_load %arg7[%get3A_228, %get3A_229] {strides = array<i32>} : memref<16x256xi32, #tpu.memory_space<vmem>>, vector<16xi32>,
      %add3A_231 = arith.addi %add3A_224, %get3A_230 : vector<16xi32>
      %mul3A_232 = arith.constant 16 : i32
      %mul3A_233 = arith.muli %scan3A_174, %mul3A_232 : i32
      %get3A_234 = arith.constant 8 : i32
      %get3A_235 = arith.index_cast %get3A_234 : i32 to index
      %get3A_236 = arith.index_cast %mul3A_233 : i32 to index
      %get3A_237 = tpu.vector_load %arg7[%get3A_235, %get3A_236] {strides = array<i32>} : memref<16x256xi32, #tpu.memory_space<vmem>>, vector<16xi32>,
      %add3A_238 = arith.addi %add3A_231, %get3A_237 : vector<16xi32>
      %mul3A_239 = arith.constant 16 : i32
      %mul3A_240 = arith.muli %scan3A_174, %mul3A_239 : i32
      %get3A_241 = arith.constant 9 : i32
      %get3A_242 = arith.index_cast %get3A_241 : i32 to index
      %get3A_243 = arith.index_cast %mul3A_240 : i32 to index
      %get3A_244 = tpu.vector_load %arg7[%get3A_242, %get3A_243] {strides = array<i32>} : memref<16x256xi32, #tpu.memory_space<vmem>>, vector<16xi32>,
      %add3A_245 = arith.addi %add3A_238, %get3A_244 : vector<16xi32>
      %mul3A_246 = arith.constant 16 : i32
      %mul3A_247 = arith.muli %scan3A_174, %mul3A_246 : i32
      %get3A_248 = arith.constant 10 : i32
      %get3A_249 = arith.index_cast %get3A_248 : i32 to index
      %get3A_250 = arith.index_cast %mul3A_247 : i32 to index
      %get3A_251 = tpu.vector_load %arg7[%get3A_249, %get3A_250] {strides = array<i32>} : memref<16x256xi32, #tpu.memory_space<vmem>>, vector<16xi32>,
      %add3A_252 = arith.addi %add3A_245, %get3A_251 : vector<16xi32>
      %mul3A_253 = arith.constant 16 : i32
      %mul3A_254 = arith.muli %scan3A_174, %mul3A_253 : i32
      %get3A_255 = arith.constant 11 : i32
      %get3A_256 = arith.index_cast %get3A_255 : i32 to index
      %get3A_257 = arith.index_cast %mul3A_254 : i32 to index
      %get3A_258 = tpu.vector_load %arg7[%get3A_256, %get3A_257] {strides = array<i32>} : memref<16x256xi32, #tpu.memory_space<vmem>>, vector<16xi32>,
      %add3A_259 = arith.addi %add3A_252, %get3A_258 : vector<16xi32>
      %mul3A_260 = arith.constant 16 : i32
      %mul3A_261 = arith.muli %scan3A_174, %mul3A_260 : i32
      %get3A_262 = arith.constant 12 : i32
      %get3A_263 = arith.index_cast %get3A_262 : i32 to index
      %get3A_264 = arith.index_cast %mul3A_261 : i32 to index
      %get3A_265 = tpu.vector_load %arg7[%get3A_263, %get3A_264] {strides = array<i32>} : memref<16x256xi32, #tpu.memory_space<vmem>>, vector<16xi32>,
      %add3A_266 = arith.addi %add3A_259, %get3A_265 : vector<16xi32>
      %mul3A_267 = arith.constant 16 : i32
      %mul3A_268 = arith.muli %scan3A_174, %mul3A_267 : i32
      %get3A_269 = arith.constant 13 : i32
      %get3A_270 = arith.index_cast %get3A_269 : i32 to index
      %get3A_271 = arith.index_cast %mul3A_268 : i32 to index
      %get3A_272 = tpu.vector_load %arg7[%get3A_270, %get3A_271] {strides = array<i32>} : memref<16x256xi32, #tpu.memory_space<vmem>>, vector<16xi32>,
      %add3A_273 = arith.addi %add3A_266, %get3A_272 : vector<16xi32>
      %mul3A_274 = arith.constant 16 : i32
      %mul3A_275 = arith.muli %scan3A_174, %mul3A_274 : i32
      %get3A_276 = arith.constant 14 : i32
      %get3A_277 = arith.index_cast %get3A_276 : i32 to index
      %get3A_278 = arith.index_cast %mul3A_275 : i32 to index
      %get3A_279 = tpu.vector_load %arg7[%get3A_277, %get3A_278] {strides = array<i32>} : memref<16x256xi32, #tpu.memory_space<vmem>>, vector<16xi32>,
      %add3A_280 = arith.addi %add3A_273, %get3A_279 : vector<16xi32>
      %mul3A_281 = arith.constant 16 : i32
      %mul3A_282 = arith.muli %scan3A_174, %mul3A_281 : i32
      %get3A_283 = arith.constant 15 : i32
      %get3A_284 = arith.index_cast %get3A_283 : i32 to index
      %get3A_285 = arith.index_cast %mul3A_282 : i32 to index
      %get3A_286 = tpu.vector_load %arg7[%get3A_284, %get3A_285] {strides = array<i32>} : memref<16x256xi32, #tpu.memory_space<vmem>>, vector<16xi32>,
      %add3A_287 = arith.addi %add3A_280, %get3A_286 : vector<16xi32>
      %cumsum3A = arith.constant true
      %cumsum3A_288 = vector.broadcast %cumsum3A : i1 to vector<16xi1>
      %cumsum3A_289 = tpu.scan <sum>, %add3A_287 masked %cumsum3A_288 : vector<16xi32>, vector<16xi1> -> vector<16xi32>
      %add3A_290 = vector.broadcast %scan3A_175 : i32 to vector<16xi32>
      %add3A_291 = arith.addi %add3A_290, %cumsum3A_289 : vector<16xi32>
      %gt3A = vector.broadcast %sub3A_101 : i32 to vector<16xi32>
      %gt3A_292 = arith.cmpi sgt, %add3A_291, %gt3A : vector<16xi32>
      %sub3A_293 = arith.subi %add3A_291, %add3A_287 : vector<16xi32>
      %le3A = vector.broadcast %sub3A_101 : i32 to vector<16xi32>
      %le3A_294 = arith.cmpi sle, %sub3A_293, %le3A : vector<16xi32>
      %and3A = arith.andi %gt3A_292, %le3A_294 : vector<16xi1>
      %le3A_295 = vector.broadcast %sub3A_101 : i32 to vector<16xi32>
      %le3A_296 = arith.cmpi sle, %add3A_291, %le3A_295 : vector<16xi32>
      %jit3A = arith.constant 1 : i32
      %jit3A_297 = arith.constant 0 : i32
      %broadcast_in_dim3A_298 = vector.broadcast %jit3A : i32 to vector<16xi32>
      %broadcast_in_dim3A_299 = vector.broadcast %jit3A_297 : i32 to vector<16xi32>
      %select_n3A = arith.select %le3A_296, %broadcast_in_dim3A_298, %broadcast_in_dim3A_299 : vector<16xi1>, vector<16xi32>
      %add3A_300 = arith.addi %scan3A_176, %select_n3A : vector<16xi32>
      %select_n3A_301 = arith.select %and3A, %add3A_291, %broadcast_in_dim3A_3 : vector<16xi1>, vector<16xi32>
      %add3A_302 = arith.addi %scan3A_177, %select_n3A_301 : vector<16xi32>
      %select_n3A_303 = arith.select %and3A, %add3A_287, %broadcast_in_dim3A_3 : vector<16xi1>, vector<16xi32>
      %add3A_304 = arith.addi %scan3A_178, %select_n3A_303 : vector<16xi32>
      %reduce_sum3A_305 = arith.constant true
      %reduce_sum3A_306 = vector.broadcast %reduce_sum3A_305 : i1 to vector<16xi1>
      %reduce_sum3A_307 = tpu.scan <sum>, %add3A_287 masked %reduce_sum3A_306 : vector<16xi32>, vector<16xi1> -> vector<16xi32>
      %reduce_sum3A_308 = vector.extract %reduce_sum3A_307[15] : i32 from vector<16xi32>
      %add3A_309 = arith.addi %scan3A_175, %reduce_sum3A_308 : i32
      scf.yield %add3A_309, %add3A_300, %add3A_302, %add3A_304 : i32, vector<16xi32>, vector<16xi32>, vector<16xi32>
    }
    %scan3A_108 = arith.constant 16 : i32
    %reduce_sum3A_109 = arith.constant true
    %reduce_sum3A_110 = vector.broadcast %reduce_sum3A_109 : i1 to vector<16xi1>
    %reduce_sum3A_111 = tpu.scan <sum>, %scan3A_107#1 masked %reduce_sum3A_110 : vector<16xi32>, vector<16xi1> -> vector<16xi32>
    %reduce_sum3A_112 = vector.extract %reduce_sum3A_111[15] : i32 from vector<16xi32>
    %reduce_sum3A_113 = arith.constant true
    %reduce_sum3A_114 = vector.broadcast %reduce_sum3A_113 : i1 to vector<16xi1>
    %reduce_sum3A_115 = tpu.scan <sum>, %scan3A_107#2 masked %reduce_sum3A_114 : vector<16xi32>, vector<16xi1> -> vector<16xi32>
    %reduce_sum3A_116 = vector.extract %reduce_sum3A_115[15] : i32 from vector<16xi32>
    %reduce_sum3A_117 = arith.constant true
    %reduce_sum3A_118 = vector.broadcast %reduce_sum3A_117 : i1 to vector<16xi1>
    %reduce_sum3A_119 = tpu.scan <sum>, %scan3A_107#3 masked %reduce_sum3A_118 : vector<16xi32>, vector<16xi1> -> vector<16xi32>
    %reduce_sum3A_120 = vector.extract %reduce_sum3A_119[15] : i32 from vector<16xi32>
    %sub3A_121 = arith.subi %reduce_sum3A_79, %reduce_sum3A_116 : i32
    %sub3A_122 = arith.subi %sub3A_81, %sub3A_121 : i32
    %shift_left3A_123 = arith.constant 8 : i32
    %shift_left3A_124 = arith.shli %or3A_84, %shift_left3A_123 : i32
    %or3A_125 = arith.ori %shift_left3A_124, %reduce_sum3A_112 : i32
    %scan3A_126 = arith.constant 0 : i32
    %scan3A_127 = arith.constant 0 : i32
    %scan3A_128 = arith.constant 16 : i32
    %scan3A_129 = arith.addi %scan3A_127, %scan3A_128 : i32
    %scan3A_130 = arith.constant 1 : i32
    %scan3A_131 = scf.for %scan3A_174 = %scan3A_127 to %scan3A_129 step %scan3A_130 iter_args(%scan3A_175 = %scan3A_126) -> (i32)  : i32 {
      %mul3A_176 = arith.constant 16 : i32
      %mul3A_177 = arith.muli %scan3A_174, %mul3A_176 : i32
      %swap3A = arith.index_cast %mul3A_177 : i32 to index
      %swap3A_178 = tpu.vector_load %arg6[%swap3A] {strides = array<i32>} : memref<256xi32, #tpu.memory_space<vmem>>, vector<16xi32>,
      tpu.vector_store %arg6[%swap3A], %broadcast_in_dim3A_3 {strides = array<i32>} : memref<256xi32, #tpu.memory_space<vmem>>, vector<16xi32>,
      %scan3A_179 = arith.constant 0 : i32
      scf.yield %scan3A_179 : i32
    }
    %scan3A_132 = arith.constant 16 : i32
    %scan3A_133 = arith.constant 0 : i32
    %scan3A_134 = arith.constant 0 : i32
    %scan3A_135 = arith.constant 128 : i32
    %scan3A_136 = arith.addi %scan3A_134, %scan3A_135 : i32
    %scan3A_137 = arith.constant 4 : i32
    %scan3A_138 = scf.for %scan3A_174 = %scan3A_134 to %scan3A_136 step %scan3A_137 iter_args(%scan3A_175 = %scan3A_133) -> (i32)  : i32 {
      %mul3A_176 = arith.constant 16 : i32
      %mul3A_177 = arith.muli %scan3A_174, %mul3A_176 : i32
      %get3A = arith.index_cast %mul3A_177 : i32 to index
      %get3A_178 = tpu.vector_load %arg5[%get3A] {strides = array<i32>} : memref<2048xi32, #tpu.memory_space<vmem>>, vector<16xi32>,
      %shift_right_arithmetic3A = arith.constant 0 : i32
      %shift_right_arithmetic3A_179 = vector.broadcast %shift_right_arithmetic3A : i32 to vector<16xi32>
      %shift_right_arithmetic3A_180 = arith.shrsi %get3A_178, %shift_right_arithmetic3A_179 : vector<16xi32>
      %and3A = arith.constant 255 : i32
      %and3A_181 = vector.broadcast %and3A : i32 to vector<16xi32>
      %and3A_182 = arith.andi %shift_right_arithmetic3A_180, %and3A_181 : vector<16xi32>
      %shift_right_arithmetic3A_183 = arith.constant 8 : i32
      %shift_right_arithmetic3A_184 = vector.broadcast %shift_right_arithmetic3A_183 : i32 to vector<16xi32>
      %shift_right_arithmetic3A_185 = arith.shrsi %get3A_178, %shift_right_arithmetic3A_184 : vector<16xi32>
      %eq3A = vector.broadcast %or3A_125 : i32 to vector<16xi32>
      %eq3A_186 = arith.cmpi eq, %shift_right_arithmetic3A_185, %eq3A : vector<16xi32>
      tpu.vector_store_idx %arg6[%and3A_182], %broadcast_in_dim3A_1 masked %eq3A_186 {add = true} : memref<256xi32, #tpu.memory_space<vmem>>[vector<16xi32>], vector<16xi32>, vector<16xi1>
      %scan3A_187 = arith.constant 0 : i32
      %scan3A_188 = arith.constant 1 : i32
      %scan3A_189 = arith.addi %scan3A_174, %scan3A_188 : i32
      %mul3A_190 = arith.constant 16 : i32
      %mul3A_191 = arith.muli %scan3A_189, %mul3A_190 : i32
      %get3A_192 = arith.index_cast %mul3A_191 : i32 to index
      %get3A_193 = tpu.vector_load %arg5[%get3A_192] {strides = array<i32>} : memref<2048xi32, #tpu.memory_space<vmem>>, vector<16xi32>,
      %shift_right_arithmetic3A_194 = arith.constant 0 : i32
      %shift_right_arithmetic3A_195 = vector.broadcast %shift_right_arithmetic3A_194 : i32 to vector<16xi32>
      %shift_right_arithmetic3A_196 = arith.shrsi %get3A_193, %shift_right_arithmetic3A_195 : vector<16xi32>
      %and3A_197 = arith.constant 255 : i32
      %and3A_198 = vector.broadcast %and3A_197 : i32 to vector<16xi32>
      %and3A_199 = arith.andi %shift_right_arithmetic3A_196, %and3A_198 : vector<16xi32>
      %shift_right_arithmetic3A_200 = arith.constant 8 : i32
      %shift_right_arithmetic3A_201 = vector.broadcast %shift_right_arithmetic3A_200 : i32 to vector<16xi32>
      %shift_right_arithmetic3A_202 = arith.shrsi %get3A_193, %shift_right_arithmetic3A_201 : vector<16xi32>
      %eq3A_203 = vector.broadcast %or3A_125 : i32 to vector<16xi32>
      %eq3A_204 = arith.cmpi eq, %shift_right_arithmetic3A_202, %eq3A_203 : vector<16xi32>
      tpu.vector_store_idx %arg6[%and3A_199], %broadcast_in_dim3A_1 masked %eq3A_204 {add = true} : memref<256xi32, #tpu.memory_space<vmem>>[vector<16xi32>], vector<16xi32>, vector<16xi1>
      %scan3A_205 = arith.constant 0 : i32
      %scan3A_206 = arith.constant 2 : i32
      %scan3A_207 = arith.addi %scan3A_174, %scan3A_206 : i32
      %mul3A_208 = arith.constant 16 : i32
      %mul3A_209 = arith.muli %scan3A_207, %mul3A_208 : i32
      %get3A_210 = arith.index_cast %mul3A_209 : i32 to index
      %get3A_211 = tpu.vector_load %arg5[%get3A_210] {strides = array<i32>} : memref<2048xi32, #tpu.memory_space<vmem>>, vector<16xi32>,
      %shift_right_arithmetic3A_212 = arith.constant 0 : i32
      %shift_right_arithmetic3A_213 = vector.broadcast %shift_right_arithmetic3A_212 : i32 to vector<16xi32>
      %shift_right_arithmetic3A_214 = arith.shrsi %get3A_211, %shift_right_arithmetic3A_213 : vector<16xi32>
      %and3A_215 = arith.constant 255 : i32
      %and3A_216 = vector.broadcast %and3A_215 : i32 to vector<16xi32>
      %and3A_217 = arith.andi %shift_right_arithmetic3A_214, %and3A_216 : vector<16xi32>
      %shift_right_arithmetic3A_218 = arith.constant 8 : i32
      %shift_right_arithmetic3A_219 = vector.broadcast %shift_right_arithmetic3A_218 : i32 to vector<16xi32>
      %shift_right_arithmetic3A_220 = arith.shrsi %get3A_211, %shift_right_arithmetic3A_219 : vector<16xi32>
      %eq3A_221 = vector.broadcast %or3A_125 : i32 to vector<16xi32>
      %eq3A_222 = arith.cmpi eq, %shift_right_arithmetic3A_220, %eq3A_221 : vector<16xi32>
      tpu.vector_store_idx %arg6[%and3A_217], %broadcast_in_dim3A_1 masked %eq3A_222 {add = true} : memref<256xi32, #tpu.memory_space<vmem>>[vector<16xi32>], vector<16xi32>, vector<16xi1>
      %scan3A_223 = arith.constant 0 : i32
      %scan3A_224 = arith.constant 3 : i32
      %scan3A_225 = arith.addi %scan3A_174, %scan3A_224 : i32
      %mul3A_226 = arith.constant 16 : i32
      %mul3A_227 = arith.muli %scan3A_225, %mul3A_226 : i32
      %get3A_228 = arith.index_cast %mul3A_227 : i32 to index
      %get3A_229 = tpu.vector_load %arg5[%get3A_228] {strides = array<i32>} : memref<2048xi32, #tpu.memory_space<vmem>>, vector<16xi32>,
      %shift_right_arithmetic3A_230 = arith.constant 0 : i32
      %shift_right_arithmetic3A_231 = vector.broadcast %shift_right_arithmetic3A_230 : i32 to vector<16xi32>
      %shift_right_arithmetic3A_232 = arith.shrsi %get3A_229, %shift_right_arithmetic3A_231 : vector<16xi32>
      %and3A_233 = arith.constant 255 : i32
      %and3A_234 = vector.broadcast %and3A_233 : i32 to vector<16xi32>
      %and3A_235 = arith.andi %shift_right_arithmetic3A_232, %and3A_234 : vector<16xi32>
      %shift_right_arithmetic3A_236 = arith.constant 8 : i32
      %shift_right_arithmetic3A_237 = vector.broadcast %shift_right_arithmetic3A_236 : i32 to vector<16xi32>
      %shift_right_arithmetic3A_238 = arith.shrsi %get3A_229, %shift_right_arithmetic3A_237 : vector<16xi32>
      %eq3A_239 = vector.broadcast %or3A_125 : i32 to vector<16xi32>
      %eq3A_240 = arith.cmpi eq, %shift_right_arithmetic3A_238, %eq3A_239 : vector<16xi32>
      tpu.vector_store_idx %arg6[%and3A_235], %broadcast_in_dim3A_1 masked %eq3A_240 {add = true} : memref<256xi32, #tpu.memory_space<vmem>>[vector<16xi32>], vector<16xi32>, vector<16xi1>
      %scan3A_241 = arith.constant 0 : i32
      scf.yield %scan3A_241 : i32
    }
    %scan3A_139 = arith.constant 128 : i32
    "tpu.region"() ({
      %run_scoped3A = tpu.sem_alloc : memref<!tpu.dma_semaphore, #tpu.memory_space<semaphore_mem>>
      %dma_start3A = arith.constant 0 : i32
      %dma_start3A_174 = tpu.memref_slice %arg4[%arg1, %dma_start3A] : memref<16x256xi32, #tpu.memory_space<vmem_shared>> -> memref<1x256xi32, #tpu.memory_space<vmem_shared>>
      %dma_start3A_175 = tpu.memref_squeeze %dma_start3A_174 : memref<1x256xi32, #tpu.memory_space<vmem_shared>> -> memref<256xi32, #tpu.memory_space<vmem_shared>>
      %dma_start3A_176 = arith.constant 0 : i32
      %dma_start3A_177 = tpu.memref_slice %arg4[%arg1, %dma_start3A_176] : memref<16x256xi32, #tpu.memory_space<vmem_shared>> -> memref<1x256xi32, #tpu.memory_space<vmem_shared>>
      %dma_start3A_178 = tpu.memref_squeeze %dma_start3A_177 : memref<1x256xi32, #tpu.memory_space<vmem_shared>> -> memref<256xi32, #tpu.memory_space<vmem_shared>>
      tpu.enqueue_dma source(%arg6 : memref<256xi32, #tpu.memory_space<vmem>>) target(%dma_start3A_178 : memref<256xi32, #tpu.memory_space<vmem_shared>>) target_semaphore(%run_scoped3A : memref<!tpu.dma_semaphore, #tpu.memory_space<semaphore_mem>>)
      %dma_wait3A = arith.constant 0 : i32
      %dma_wait3A_179 = tpu.memref_slice %arg4[%arg1, %dma_wait3A] : memref<16x256xi32, #tpu.memory_space<vmem_shared>> -> memref<1x256xi32, #tpu.memory_space<vmem_shared>>
      %dma_wait3A_180 = tpu.memref_squeeze %dma_wait3A_179 : memref<1x256xi32, #tpu.memory_space<vmem_shared>> -> memref<256xi32, #tpu.memory_space<vmem_shared>>
      %dma_wait3A_181 = arith.constant 0 : i32
      %dma_wait3A_182 = tpu.memref_slice %arg4[%arg1, %dma_wait3A_181] : memref<16x256xi32, #tpu.memory_space<vmem_shared>> -> memref<1x256xi32, #tpu.memory_space<vmem_shared>>
      %dma_wait3A_183 = tpu.memref_squeeze %dma_wait3A_182 : memref<1x256xi32, #tpu.memory_space<vmem_shared>> -> memref<256xi32, #tpu.memory_space<vmem_shared>>
      tpu.wait_dma2 semaphore(%run_scoped3A : memref<!tpu.dma_semaphore, #tpu.memory_space<semaphore_mem>>) src(%arg6 : memref<256xi32, #tpu.memory_space<vmem>>) dst(%dma_wait3A_183 : memref<256xi32, #tpu.memory_space<vmem_shared>>)
      tpu.yield
    }) : () -> ()
    %barrier3A_140 = arith.constant 0 : index
    tpu.barrier barrier_id(%barrier3A_140)
    "tpu.region"() ({
      %run_scoped3A = tpu.sem_alloc : memref<!tpu.dma_semaphore, #tpu.memory_space<semaphore_mem>>
      tpu.enqueue_dma source(%arg4 : memref<16x256xi32, #tpu.memory_space<vmem_shared>>) target(%arg7 : memref<16x256xi32, #tpu.memory_space<vmem>>) target_semaphore(%run_scoped3A : memref<!tpu.dma_semaphore, #tpu.memory_space<semaphore_mem>>)
      tpu.wait_dma2 semaphore(%run_scoped3A : memref<!tpu.dma_semaphore, #tpu.memory_space<semaphore_mem>>) src(%arg4 : memref<16x256xi32, #tpu.memory_space<vmem_shared>>) dst(%arg7 : memref<16x256xi32, #tpu.memory_space<vmem>>)
      tpu.yield
    }) : () -> ()
    %barrier3A_141 = arith.constant 0 : index
    tpu.barrier barrier_id(%barrier3A_141)
    %sub3A_142 = arith.subi %reduce_sum3A_120, %sub3A_122 : i32
    %scan3A_143 = arith.constant 0 : i32
    %scan3A_144 = arith.constant 0 : i32
    %scan3A_145 = arith.constant 16 : i32
    %scan3A_146 = arith.addi %scan3A_144, %scan3A_145 : i32
    %scan3A_147 = arith.constant 1 : i32
    %scan3A_148:4 = scf.for %scan3A_174 = %scan3A_144 to %scan3A_146 step %scan3A_147 iter_args(%scan3A_175 = %scan3A_143, %scan3A_176 = %broadcast_in_dim3A_3, %scan3A_177 = %broadcast_in_dim3A_3, %scan3A_178 = %broadcast_in_dim3A_3) -> (i32, vector<16xi32>, vector<16xi32>, vector<16xi32>)  : i32 {
      %mul3A_179 = arith.constant 16 : i32
      %mul3A_180 = arith.muli %scan3A_174, %mul3A_179 : i32
      %get3A = arith.constant 0 : i32
      %get3A_181 = arith.index_cast %get3A : i32 to index
      %get3A_182 = arith.index_cast %mul3A_180 : i32 to index
      %get3A_183 = tpu.vector_load %arg7[%get3A_181, %get3A_182] {strides = array<i32>} : memref<16x256xi32, #tpu.memory_space<vmem>>, vector<16xi32>,
      %mul3A_184 = arith.constant 16 : i32
      %mul3A_185 = arith.muli %scan3A_174, %mul3A_184 : i32
      %get3A_186 = arith.constant 1 : i32
      %get3A_187 = arith.index_cast %get3A_186 : i32 to index
      %get3A_188 = arith.index_cast %mul3A_185 : i32 to index
      %get3A_189 = tpu.vector_load %arg7[%get3A_187, %get3A_188] {strides = array<i32>} : memref<16x256xi32, #tpu.memory_space<vmem>>, vector<16xi32>,
      %add3A = arith.addi %get3A_183, %get3A_189 : vector<16xi32>
      %mul3A_190 = arith.constant 16 : i32
      %mul3A_191 = arith.muli %scan3A_174, %mul3A_190 : i32
      %get3A_192 = arith.constant 2 : i32
      %get3A_193 = arith.index_cast %get3A_192 : i32 to index
      %get3A_194 = arith.index_cast %mul3A_191 : i32 to index
      %get3A_195 = tpu.vector_load %arg7[%get3A_193, %get3A_194] {strides = array<i32>} : memref<16x256xi32, #tpu.memory_space<vmem>>, vector<16xi32>,
      %add3A_196 = arith.addi %add3A, %get3A_195 : vector<16xi32>
      %mul3A_197 = arith.constant 16 : i32
      %mul3A_198 = arith.muli %scan3A_174, %mul3A_197 : i32
      %get3A_199 = arith.constant 3 : i32
      %get3A_200 = arith.index_cast %get3A_199 : i32 to index
      %get3A_201 = arith.index_cast %mul3A_198 : i32 to index
      %get3A_202 = tpu.vector_load %arg7[%get3A_200, %get3A_201] {strides = array<i32>} : memref<16x256xi32, #tpu.memory_space<vmem>>, vector<16xi32>,
      %add3A_203 = arith.addi %add3A_196, %get3A_202 : vector<16xi32>
      %mul3A_204 = arith.constant 16 : i32
      %mul3A_205 = arith.muli %scan3A_174, %mul3A_204 : i32
      %get3A_206 = arith.constant 4 : i32
      %get3A_207 = arith.index_cast %get3A_206 : i32 to index
      %get3A_208 = arith.index_cast %mul3A_205 : i32 to index
      %get3A_209 = tpu.vector_load %arg7[%get3A_207, %get3A_208] {strides = array<i32>} : memref<16x256xi32, #tpu.memory_space<vmem>>, vector<16xi32>,
      %add3A_210 = arith.addi %add3A_203, %get3A_209 : vector<16xi32>
      %mul3A_211 = arith.constant 16 : i32
      %mul3A_212 = arith.muli %scan3A_174, %mul3A_211 : i32
      %get3A_213 = arith.constant 5 : i32
      %get3A_214 = arith.index_cast %get3A_213 : i32 to index
      %get3A_215 = arith.index_cast %mul3A_212 : i32 to index
      %get3A_216 = tpu.vector_load %arg7[%get3A_214, %get3A_215] {strides = array<i32>} : memref<16x256xi32, #tpu.memory_space<vmem>>, vector<16xi32>,
      %add3A_217 = arith.addi %add3A_210, %get3A_216 : vector<16xi32>
      %mul3A_218 = arith.constant 16 : i32
      %mul3A_219 = arith.muli %scan3A_174, %mul3A_218 : i32
      %get3A_220 = arith.constant 6 : i32
      %get3A_221 = arith.index_cast %get3A_220 : i32 to index
      %get3A_222 = arith.index_cast %mul3A_219 : i32 to index
      %get3A_223 = tpu.vector_load %arg7[%get3A_221, %get3A_222] {strides = array<i32>} : memref<16x256xi32, #tpu.memory_space<vmem>>, vector<16xi32>,
      %add3A_224 = arith.addi %add3A_217, %get3A_223 : vector<16xi32>
      %mul3A_225 = arith.constant 16 : i32
      %mul3A_226 = arith.muli %scan3A_174, %mul3A_225 : i32
      %get3A_227 = arith.constant 7 : i32
      %get3A_228 = arith.index_cast %get3A_227 : i32 to index
      %get3A_229 = arith.index_cast %mul3A_226 : i32 to index
      %get3A_230 = tpu.vector_load %arg7[%get3A_228, %get3A_229] {strides = array<i32>} : memref<16x256xi32, #tpu.memory_space<vmem>>, vector<16xi32>,
      %add3A_231 = arith.addi %add3A_224, %get3A_230 : vector<16xi32>
      %mul3A_232 = arith.constant 16 : i32
      %mul3A_233 = arith.muli %scan3A_174, %mul3A_232 : i32
      %get3A_234 = arith.constant 8 : i32
      %get3A_235 = arith.index_cast %get3A_234 : i32 to index
      %get3A_236 = arith.index_cast %mul3A_233 : i32 to index
      %get3A_237 = tpu.vector_load %arg7[%get3A_235, %get3A_236] {strides = array<i32>} : memref<16x256xi32, #tpu.memory_space<vmem>>, vector<16xi32>,
      %add3A_238 = arith.addi %add3A_231, %get3A_237 : vector<16xi32>
      %mul3A_239 = arith.constant 16 : i32
      %mul3A_240 = arith.muli %scan3A_174, %mul3A_239 : i32
      %get3A_241 = arith.constant 9 : i32
      %get3A_242 = arith.index_cast %get3A_241 : i32 to index
      %get3A_243 = arith.index_cast %mul3A_240 : i32 to index
      %get3A_244 = tpu.vector_load %arg7[%get3A_242, %get3A_243] {strides = array<i32>} : memref<16x256xi32, #tpu.memory_space<vmem>>, vector<16xi32>,
      %add3A_245 = arith.addi %add3A_238, %get3A_244 : vector<16xi32>
      %mul3A_246 = arith.constant 16 : i32
      %mul3A_247 = arith.muli %scan3A_174, %mul3A_246 : i32
      %get3A_248 = arith.constant 10 : i32
      %get3A_249 = arith.index_cast %get3A_248 : i32 to index
      %get3A_250 = arith.index_cast %mul3A_247 : i32 to index
      %get3A_251 = tpu.vector_load %arg7[%get3A_249, %get3A_250] {strides = array<i32>} : memref<16x256xi32, #tpu.memory_space<vmem>>, vector<16xi32>,
      %add3A_252 = arith.addi %add3A_245, %get3A_251 : vector<16xi32>
      %mul3A_253 = arith.constant 16 : i32
      %mul3A_254 = arith.muli %scan3A_174, %mul3A_253 : i32
      %get3A_255 = arith.constant 11 : i32
      %get3A_256 = arith.index_cast %get3A_255 : i32 to index
      %get3A_257 = arith.index_cast %mul3A_254 : i32 to index
      %get3A_258 = tpu.vector_load %arg7[%get3A_256, %get3A_257] {strides = array<i32>} : memref<16x256xi32, #tpu.memory_space<vmem>>, vector<16xi32>,
      %add3A_259 = arith.addi %add3A_252, %get3A_258 : vector<16xi32>
      %mul3A_260 = arith.constant 16 : i32
      %mul3A_261 = arith.muli %scan3A_174, %mul3A_260 : i32
      %get3A_262 = arith.constant 12 : i32
      %get3A_263 = arith.index_cast %get3A_262 : i32 to index
      %get3A_264 = arith.index_cast %mul3A_261 : i32 to index
      %get3A_265 = tpu.vector_load %arg7[%get3A_263, %get3A_264] {strides = array<i32>} : memref<16x256xi32, #tpu.memory_space<vmem>>, vector<16xi32>,
      %add3A_266 = arith.addi %add3A_259, %get3A_265 : vector<16xi32>
      %mul3A_267 = arith.constant 16 : i32
      %mul3A_268 = arith.muli %scan3A_174, %mul3A_267 : i32
      %get3A_269 = arith.constant 13 : i32
      %get3A_270 = arith.index_cast %get3A_269 : i32 to index
      %get3A_271 = arith.index_cast %mul3A_268 : i32 to index
      %get3A_272 = tpu.vector_load %arg7[%get3A_270, %get3A_271] {strides = array<i32>} : memref<16x256xi32, #tpu.memory_space<vmem>>, vector<16xi32>,
      %add3A_273 = arith.addi %add3A_266, %get3A_272 : vector<16xi32>
      %mul3A_274 = arith.constant 16 : i32
      %mul3A_275 = arith.muli %scan3A_174, %mul3A_274 : i32
      %get3A_276 = arith.constant 14 : i32
      %get3A_277 = arith.index_cast %get3A_276 : i32 to index
      %get3A_278 = arith.index_cast %mul3A_275 : i32 to index
      %get3A_279 = tpu.vector_load %arg7[%get3A_277, %get3A_278] {strides = array<i32>} : memref<16x256xi32, #tpu.memory_space<vmem>>, vector<16xi32>,
      %add3A_280 = arith.addi %add3A_273, %get3A_279 : vector<16xi32>
      %mul3A_281 = arith.constant 16 : i32
      %mul3A_282 = arith.muli %scan3A_174, %mul3A_281 : i32
      %get3A_283 = arith.constant 15 : i32
      %get3A_284 = arith.index_cast %get3A_283 : i32 to index
      %get3A_285 = arith.index_cast %mul3A_282 : i32 to index
      %get3A_286 = tpu.vector_load %arg7[%get3A_284, %get3A_285] {strides = array<i32>} : memref<16x256xi32, #tpu.memory_space<vmem>>, vector<16xi32>,
      %add3A_287 = arith.addi %add3A_280, %get3A_286 : vector<16xi32>
      %cumsum3A = arith.constant true
      %cumsum3A_288 = vector.broadcast %cumsum3A : i1 to vector<16xi1>
      %cumsum3A_289 = tpu.scan <sum>, %add3A_287 masked %cumsum3A_288 : vector<16xi32>, vector<16xi1> -> vector<16xi32>
      %add3A_290 = vector.broadcast %scan3A_175 : i32 to vector<16xi32>
      %add3A_291 = arith.addi %add3A_290, %cumsum3A_289 : vector<16xi32>
      %gt3A = vector.broadcast %sub3A_142 : i32 to vector<16xi32>
      %gt3A_292 = arith.cmpi sgt, %add3A_291, %gt3A : vector<16xi32>
      %sub3A_293 = arith.subi %add3A_291, %add3A_287 : vector<16xi32>
      %le3A = vector.broadcast %sub3A_142 : i32 to vector<16xi32>
      %le3A_294 = arith.cmpi sle, %sub3A_293, %le3A : vector<16xi32>
      %and3A = arith.andi %gt3A_292, %le3A_294 : vector<16xi1>
      %le3A_295 = vector.broadcast %sub3A_142 : i32 to vector<16xi32>
      %le3A_296 = arith.cmpi sle, %add3A_291, %le3A_295 : vector<16xi32>
      %jit3A = arith.constant 1 : i32
      %jit3A_297 = arith.constant 0 : i32
      %broadcast_in_dim3A_298 = vector.broadcast %jit3A : i32 to vector<16xi32>
      %broadcast_in_dim3A_299 = vector.broadcast %jit3A_297 : i32 to vector<16xi32>
      %select_n3A = arith.select %le3A_296, %broadcast_in_dim3A_298, %broadcast_in_dim3A_299 : vector<16xi1>, vector<16xi32>
      %add3A_300 = arith.addi %scan3A_176, %select_n3A : vector<16xi32>
      %select_n3A_301 = arith.select %and3A, %add3A_291, %broadcast_in_dim3A_3 : vector<16xi1>, vector<16xi32>
      %add3A_302 = arith.addi %scan3A_177, %select_n3A_301 : vector<16xi32>
      %select_n3A_303 = arith.select %and3A, %add3A_287, %broadcast_in_dim3A_3 : vector<16xi1>, vector<16xi32>
      %add3A_304 = arith.addi %scan3A_178, %select_n3A_303 : vector<16xi32>
      %reduce_sum3A_305 = arith.constant true
      %reduce_sum3A_306 = vector.broadcast %reduce_sum3A_305 : i1 to vector<16xi1>
      %reduce_sum3A_307 = tpu.scan <sum>, %add3A_287 masked %reduce_sum3A_306 : vector<16xi32>, vector<16xi1> -> vector<16xi32>
      %reduce_sum3A_308 = vector.extract %reduce_sum3A_307[15] : i32 from vector<16xi32>
      %add3A_309 = arith.addi %scan3A_175, %reduce_sum3A_308 : i32
      scf.yield %add3A_309, %add3A_300, %add3A_302, %add3A_304 : i32, vector<16xi32>, vector<16xi32>, vector<16xi32>
    }
    %scan3A_149 = arith.constant 16 : i32
    %reduce_sum3A_150 = arith.constant true
    %reduce_sum3A_151 = vector.broadcast %reduce_sum3A_150 : i1 to vector<16xi1>
    %reduce_sum3A_152 = tpu.scan <sum>, %scan3A_148#1 masked %reduce_sum3A_151 : vector<16xi32>, vector<16xi1> -> vector<16xi32>
    %reduce_sum3A_153 = vector.extract %reduce_sum3A_152[15] : i32 from vector<16xi32>
    %reduce_sum3A_154 = arith.constant true
    %reduce_sum3A_155 = vector.broadcast %reduce_sum3A_154 : i1 to vector<16xi1>
    %reduce_sum3A_156 = tpu.scan <sum>, %scan3A_148#2 masked %reduce_sum3A_155 : vector<16xi32>, vector<16xi1> -> vector<16xi32>
    %reduce_sum3A_157 = vector.extract %reduce_sum3A_156[15] : i32 from vector<16xi32>
    %reduce_sum3A_158 = arith.constant true
    %reduce_sum3A_159 = vector.broadcast %reduce_sum3A_158 : i1 to vector<16xi1>
    %reduce_sum3A_160 = tpu.scan <sum>, %scan3A_148#3 masked %reduce_sum3A_159 : vector<16xi32>, vector<16xi1> -> vector<16xi32>
    %reduce_sum3A_161 = vector.extract %reduce_sum3A_160[15] : i32 from vector<16xi32>
    %sub3A_162 = arith.subi %reduce_sum3A_120, %reduce_sum3A_157 : i32
    %sub3A_163 = arith.subi %sub3A_122, %sub3A_162 : i32
    %shift_left3A_164 = arith.constant 8 : i32
    %shift_left3A_165 = arith.shli %or3A_125, %shift_left3A_164 : i32
    %or3A_166 = arith.ori %shift_left3A_165, %reduce_sum3A_153 : i32
    %scan3A_167 = arith.constant 0 : i32
    %scan3A_168 = arith.constant 0 : i32
    %scan3A_169 = arith.constant 128 : i32
    %scan3A_170 = arith.addi %scan3A_168, %scan3A_169 : i32
    %scan3A_171 = arith.constant 4 : i32
    %scan3A_172 = scf.for %scan3A_174 = %scan3A_168 to %scan3A_170 step %scan3A_171 iter_args(%scan3A_175 = %scan3A_167) -> (i32)  : i32 {
      %mul3A_176 = arith.constant 16 : i32
      %mul3A_177 = arith.muli %scan3A_174, %mul3A_176 : i32
      %get3A = arith.index_cast %mul3A_177 : i32 to index
      %get3A_178 = tpu.vector_load %arg5[%get3A] {strides = array<i32>} : memref<2048xi32, #tpu.memory_space<vmem>>, vector<16xi32>,
      %gt3A = vector.broadcast %or3A_166 : i32 to vector<16xi32>
      %gt3A_179 = arith.cmpi sgt, %get3A_178, %gt3A : vector<16xi32>
      %jit3A = arith.constant 1.000000e+00 : f32
      %jit3A_180 = arith.constant 0.000000e+00 : f32
      %broadcast_in_dim3A_181 = vector.broadcast %jit3A : f32 to vector<16xf32>
      %broadcast_in_dim3A_182 = vector.broadcast %jit3A_180 : f32 to vector<16xf32>
      %select_n3A = arith.select %gt3A_179, %broadcast_in_dim3A_181, %broadcast_in_dim3A_182 : vector<16xi1>, vector<16xf32>
      %mul3A_183 = arith.constant 16 : i32
      %mul3A_184 = arith.muli %scan3A_174, %mul3A_183 : i32
      %swap3A = arith.index_cast %mul3A_184 : i32 to index
      %swap3A_185 = tpu.vector_load %arg8[%swap3A] {strides = array<i32>} : memref<2048xf32, #tpu.memory_space<vmem>>, vector<16xf32>,
      tpu.vector_store %arg8[%swap3A], %select_n3A {strides = array<i32>} : memref<2048xf32, #tpu.memory_space<vmem>>, vector<16xf32>,
      %scan3A_186 = arith.constant 0 : i32
      %scan3A_187 = arith.constant 1 : i32
      %scan3A_188 = arith.addi %scan3A_174, %scan3A_187 : i32
      %mul3A_189 = arith.constant 16 : i32
      %mul3A_190 = arith.muli %scan3A_188, %mul3A_189 : i32
      %get3A_191 = arith.index_cast %mul3A_190 : i32 to index
      %get3A_192 = tpu.vector_load %arg5[%get3A_191] {strides = array<i32>} : memref<2048xi32, #tpu.memory_space<vmem>>, vector<16xi32>,
      %gt3A_193 = vector.broadcast %or3A_166 : i32 to vector<16xi32>
      %gt3A_194 = arith.cmpi sgt, %get3A_192, %gt3A_193 : vector<16xi32>
      %jit3A_195 = arith.constant 1.000000e+00 : f32
      %jit3A_196 = arith.constant 0.000000e+00 : f32
      %broadcast_in_dim3A_197 = vector.broadcast %jit3A_195 : f32 to vector<16xf32>
      %broadcast_in_dim3A_198 = vector.broadcast %jit3A_196 : f32 to vector<16xf32>
      %select_n3A_199 = arith.select %gt3A_194, %broadcast_in_dim3A_197, %broadcast_in_dim3A_198 : vector<16xi1>, vector<16xf32>
      %mul3A_200 = arith.constant 16 : i32
      %mul3A_201 = arith.muli %scan3A_188, %mul3A_200 : i32
      %swap3A_202 = arith.index_cast %mul3A_201 : i32 to index
      %swap3A_203 = tpu.vector_load %arg8[%swap3A_202] {strides = array<i32>} : memref<2048xf32, #tpu.memory_space<vmem>>, vector<16xf32>,
      tpu.vector_store %arg8[%swap3A_202], %select_n3A_199 {strides = array<i32>} : memref<2048xf32, #tpu.memory_space<vmem>>, vector<16xf32>,
      %scan3A_204 = arith.constant 0 : i32
      %scan3A_205 = arith.constant 2 : i32
      %scan3A_206 = arith.addi %scan3A_174, %scan3A_205 : i32
      %mul3A_207 = arith.constant 16 : i32
      %mul3A_208 = arith.muli %scan3A_206, %mul3A_207 : i32
      %get3A_209 = arith.index_cast %mul3A_208 : i32 to index
      %get3A_210 = tpu.vector_load %arg5[%get3A_209] {strides = array<i32>} : memref<2048xi32, #tpu.memory_space<vmem>>, vector<16xi32>,
      %gt3A_211 = vector.broadcast %or3A_166 : i32 to vector<16xi32>
      %gt3A_212 = arith.cmpi sgt, %get3A_210, %gt3A_211 : vector<16xi32>
      %jit3A_213 = arith.constant 1.000000e+00 : f32
      %jit3A_214 = arith.constant 0.000000e+00 : f32
      %broadcast_in_dim3A_215 = vector.broadcast %jit3A_213 : f32 to vector<16xf32>
      %broadcast_in_dim3A_216 = vector.broadcast %jit3A_214 : f32 to vector<16xf32>
      %select_n3A_217 = arith.select %gt3A_212, %broadcast_in_dim3A_215, %broadcast_in_dim3A_216 : vector<16xi1>, vector<16xf32>
      %mul3A_218 = arith.constant 16 : i32
      %mul3A_219 = arith.muli %scan3A_206, %mul3A_218 : i32
      %swap3A_220 = arith.index_cast %mul3A_219 : i32 to index
      %swap3A_221 = tpu.vector_load %arg8[%swap3A_220] {strides = array<i32>} : memref<2048xf32, #tpu.memory_space<vmem>>, vector<16xf32>,
      tpu.vector_store %arg8[%swap3A_220], %select_n3A_217 {strides = array<i32>} : memref<2048xf32, #tpu.memory_space<vmem>>, vector<16xf32>,
      %scan3A_222 = arith.constant 0 : i32
      %scan3A_223 = arith.constant 3 : i32
      %scan3A_224 = arith.addi %scan3A_174, %scan3A_223 : i32
      %mul3A_225 = arith.constant 16 : i32
      %mul3A_226 = arith.muli %scan3A_224, %mul3A_225 : i32
      %get3A_227 = arith.index_cast %mul3A_226 : i32 to index
      %get3A_228 = tpu.vector_load %arg5[%get3A_227] {strides = array<i32>} : memref<2048xi32, #tpu.memory_space<vmem>>, vector<16xi32>,
      %gt3A_229 = vector.broadcast %or3A_166 : i32 to vector<16xi32>
      %gt3A_230 = arith.cmpi sgt, %get3A_228, %gt3A_229 : vector<16xi32>
      %jit3A_231 = arith.constant 1.000000e+00 : f32
      %jit3A_232 = arith.constant 0.000000e+00 : f32
      %broadcast_in_dim3A_233 = vector.broadcast %jit3A_231 : f32 to vector<16xf32>
      %broadcast_in_dim3A_234 = vector.broadcast %jit3A_232 : f32 to vector<16xf32>
      %select_n3A_235 = arith.select %gt3A_230, %broadcast_in_dim3A_233, %broadcast_in_dim3A_234 : vector<16xi1>, vector<16xf32>
      %mul3A_236 = arith.constant 16 : i32
      %mul3A_237 = arith.muli %scan3A_224, %mul3A_236 : i32
      %swap3A_238 = arith.index_cast %mul3A_237 : i32 to index
      %swap3A_239 = tpu.vector_load %arg8[%swap3A_238] {strides = array<i32>} : memref<2048xf32, #tpu.memory_space<vmem>>, vector<16xf32>,
      tpu.vector_store %arg8[%swap3A_238], %select_n3A_235 {strides = array<i32>} : memref<2048xf32, #tpu.memory_space<vmem>>, vector<16xf32>,
      %scan3A_240 = arith.constant 0 : i32
      scf.yield %scan3A_240 : i32
    }
    %scan3A_173 = arith.constant 128 : i32
    "tpu.region"() ({
      %run_scoped3A = tpu.sem_alloc : memref<!tpu.dma_semaphore, #tpu.memory_space<semaphore_mem>>
      %dma_start3A = tpu.memref_slice %arg3[%mul3A_0] : memref<32768xf32, #tpu.memory_space<hbm>> -> memref<2048xf32, #tpu.memory_space<hbm>>
      %dma_start3A_174 = tpu.memref_slice %arg3[%mul3A_0] : memref<32768xf32, #tpu.memory_space<hbm>> -> memref<2048xf32, #tpu.memory_space<hbm>>
      tpu.enqueue_dma source(%arg8 : memref<2048xf32, #tpu.memory_space<vmem>>) target(%dma_start3A_174 : memref<2048xf32, #tpu.memory_space<hbm>>) target_semaphore(%run_scoped3A : memref<!tpu.dma_semaphore, #tpu.memory_space<semaphore_mem>>)
      %dma_wait3A = tpu.memref_slice %arg3[%mul3A_0] : memref<32768xf32, #tpu.memory_space<hbm>> -> memref<2048xf32, #tpu.memory_space<hbm>>
      %dma_wait3A_175 = tpu.memref_slice %arg3[%mul3A_0] : memref<32768xf32, #tpu.memory_space<hbm>> -> memref<2048xf32, #tpu.memory_space<hbm>>
      tpu.wait_dma2 semaphore(%run_scoped3A : memref<!tpu.dma_semaphore, #tpu.memory_space<semaphore_mem>>) src(%arg8 : memref<2048xf32, #tpu.memory_space<vmem>>) dst(%dma_wait3A_175 : memref<2048xf32, #tpu.memory_space<hbm>>)
      tpu.yield
    }) : () -> ()
    return
  }
}

</mosaic_0001>

<sc_bundles>
// kernel: _radix_select.3.cloned.1.call-start
scs
__scs_entry_jumppad:
0x0: {  	(pc) =	sbr.rel $0x88, $3  }
0x1: {  	(tag) =	ssettag $0x0;
	lr =	simm.s32 $0x1  }
0x2: {  	[smem:$0x3FA0] =	sst lr;
	_ =	strace $0xD0000000  }
0x3: {  	_ = 	snop  }
0x4: {  	_ = 	snop  }
0x5: {  	_ = 	snop  }
0x6: {  	_ = 	snop  }
0x7: {  	_ = 	snop  }
__scs_overlays_trampoline_lowered:
0x8: {  	[smem:$0x3FAF] =	sst s0  }
0x9: {  	[smem:$0x3FB0] =	sst s1  }
0xa: {  	[smem:$0x3FB1] =	sst s2  }
0xb: {  	[smem:$0x3FB2] =	sst s3  }
0xc: {  	[smem:$0x3FB3] =	sst s4  }
0xd: {  	[smem:$0x3FB4] =	sst s5  }
0xe: {  	[smem:$0x3FB5] =	sst s6  }
0xf: {  	[smem:$0x3FB6] =	sst s7  }
0x10: {  	[smem:$0x3FB7] =	sst s8  }
0x11: {  	[smem:$0x3FB8] =	sst s9;
	s0 =	simm.s32 @!p0 $0x0  }
0x12: {  	s1 =	sld [smem:$0x3F9E];
	s0 =	simm.s32 @p0 $0x1  }
0x13: {  	[smem:$0x3FB9] =	sst s0;
	s0 =	simm.s32 @!p1 $0x0  }
0x14: {  	s2 =	sld [smem:$0x3F9D];
	s0 =	simm.s32 @p1 $0x1  }
0x15: {  	[smem:$0x3FBA] =	sst s0;
	s0 =	simm.s32 @!p2 $0x0  }
0x16: {  	s3 =	sld [smem:$0x3FDB];
	s0 =	simm.s32 @p2 $0x1  }
0x17: {  	s4 =	simm.s32 $0x1BF5;
	[smem:$0x3FBC] =	sst s0  }
0x18: {  	s0 =	sld [smem:$0x3F9F];
	_ =	swait.ge [sflag:s4], $0x0  }
0x19: {  	s7 =	sld [smem:$0x3FA0]  }
0x1a: {  	s8 =	sadd.s32 $0xFFFFE003, lr  }
0x1b: {  	s9 =	sadd.s32 $0xFFFFFEF7, lr;
	s5 =	simm.s32 $0xFFFFFFFF;
	p2 =	slt.u32 s8, $0xFFFFF086  }
0x1c: {  	p1 =	slt.u32 s9, $0xF7A;
	s5 =	simm.s32 @!p2 $0x0  }
0x1d: {  	s5 =	simm.s32 @p1 $0x1;
	p0 =	seq.s32 s7, s2  }
0x1e: {  	s7 =	smul.u32 @!p0 $0xF7A, s2;
	p2 =	seq.s32 @!p0 s5, $0x0  }
0x1f: {  	s9 =	smul.u32 $0xF7A, s1;
	s8 =	simm.s32 @!p0 $0x1BF5;
	p2 =	por !p2, p0  }
0x20: {  	[sflag:s8] =	ssyncset.s32 @!p0 $0xFFFFF086;
	s6 =	sadd.s32 @!p0 s3, s7;
	s7 =	simm.s32 @!p0 $0x108  }
0x21: {  	s3 =	sadd.s32 s3, s9;
	s6 =	sadd.s32 @!p0 $0x88, s6;
	s7 =	simm.s32 @p2 $0x1082  }
0x22: {  	[simem:s7], [sflag:s8] =	dma.local @!p0 [hbm:s6], $0xF7A  }
0x23: {  	s9 =	sor.u32 $0xD0000000, s2;
	s6 =	simm.s32 $0x108;
	_ =	swait.ge @!p0 [sflag:s8], $0x0  }
0x24: {  	s3 =	sadd.s32 $0x88, s3;
	s6 =	simm.s32 @!p1 $0x1082;
	[sflag:s4] =	ssyncset.s32 $0xFFFFF086  }
0x25: {  	[simem:s6], [sflag:s4] =	dma.local [hbm:s3], $0xF7A  }
0x26: {  	[smem:$0x3FA0] =	sst s1;
	(tag) =	ssettag s2;
	_ =	strace s9  }
0x27: {  	s1 =	sld [smem:$0x3FB0]  }
0x28: {  	s2 =	sld [smem:$0x3FB1]  }
0x29: {  	s4 =	sld [smem:$0x3FB3]  }
0x2a: {  	p0 =	seq.s32 s5, $0x0;
	s5 =	sld [smem:$0x3FB4]  }
0x2b: {  	s6 =	sld [smem:$0x3FB5]  }
0x2c: {  	s7 =	sld [smem:$0x3FB6]  }
0x2d: {  	s3 =	simm.s32 $0x108;
	s8 =	sld [smem:$0x3FB7]  }
0x2e: {  	s3 =	simm.s32 @!p0 $0x1082;
	s9 =	sld [smem:$0x3FB8]  }
0x2f: {  	lr =	sadd.s32 s0, s3;
	s0 =	sld [smem:$0x3FAF]  }
0x30: {  	s3 =	sld [smem:$0x3FB2]  }
0x31: {  	[smem:$0x3FBB] =	sst s10  }
0x32: {  	s10 =	sld [smem:$0x3FB9];
	_ =	sdelay $0x3  }
0x33: {  	p0 =	seq.s32 s10, $0x1;
	s10 =	sld [smem:$0x3FBB];
	_ =	sdelay $0x3  }
0x34: {  	[smem:$0x3FBB] =	sst s10  }
0x35: {  	s10 =	sld [smem:$0x3FBA];
	_ =	sdelay $0x3  }
0x36: {  	p1 =	seq.s32 s10, $0x1;
	s10 =	sld [smem:$0x3FBB];
	_ =	sdelay $0x3  }
0x37: {  	[smem:$0x3FBB] =	sst s10  }
0x38: {  	s10 =	sld [smem:$0x3FBC]  }
0x39: {  	_ = 	snop;
	(pc) =	sbr.ind lr, $3  }
0x3a: {  	_ = 	snop  }
0x3b: {  	_ = 	snop  }
0x3c: {  	p2 =	seq.s32 s10, $0x1;
	s10 =	sld [smem:$0x3FBB]  }
0x3d: {  	_ =	shalt  }
0x3e: {  	_ =	shalt  }
0x3f: {  	_ =	shalt  }
0x40: {  	_ =	shalt  }
0x41: {  	_ =	shalt  }
0x42: {  	_ =	shalt  }
0x43: {  	_ =	shalt  }
0x44: {  	_ =	shalt  }
0x45: {  	_ =	shalt  }
0x46: {  	_ =	shalt  }
0x47: {  	_ =	shalt  }
0x48: {  	_ =	shalt  }
0x49: {  	_ =	shalt  }
0x4a: {  	_ =	shalt  }
0x4b: {  	_ =	shalt  }
0x4c: {  	_ =	shalt  }
0x4d: {  	_ =	shalt  }
0x4e: {  	_ =	shalt  }
0x4f: {  	_ =	shalt  }
0x50: {  	_ =	shalt  }
0x51: {  	_ =	shalt  }
0x52: {  	_ =	shalt  }
0x53: {  	_ =	shalt  }
0x54: {  	_ =	shalt  }
0x55: {  	_ =	shalt  }
0x56: {  	_ =	shalt  }
0x57: {  	_ =	shalt  }
0x58: {  	_ =	shalt  }
0x59: {  	_ =	shalt  }
0x5a: {  	_ =	shalt  }
0x5b: {  	_ =	shalt  }
0x5c: {  	_ =	shalt  }
0x5d: {  	_ =	shalt  }
0x5e: {  	_ =	shalt  }
0x5f: {  	_ =	shalt  }
0x60: {  	_ =	shalt  }
0x61: {  	_ =	shalt  }
0x62: {  	_ =	shalt  }
0x63: {  	_ =	shalt  }
0x64: {  	_ =	shalt  }
0x65: {  	_ =	shalt  }
0x66: {  	_ =	shalt  }
0x67: {  	_ =	shalt  }
0x68: {  	_ =	shalt  }
0x69: {  	_ =	shalt  }
0x6a: {  	_ =	shalt  }
0x6b: {  	_ =	shalt  }
0x6c: {  	_ =	shalt  }
0x6d: {  	_ =	shalt  }
0x6e: {  	_ =	shalt  }
0x6f: {  	_ =	shalt  }
0x70: {  	_ =	shalt  }
0x71: {  	_ =	shalt  }
0x72: {  	_ =	shalt  }
0x73: {  	_ =	shalt  }
0x74: {  	_ =	shalt  }
0x75: {  	_ =	shalt  }
0x76: {  	_ =	shalt  }
0x77: {  	_ =	shalt  }
0x78: {  	_ =	shalt  }
0x79: {  	_ =	shalt  }
0x7a: {  	_ =	shalt  }
0x7b: {  	_ =	shalt  }
0x7c: {  	_ =	shalt  }
0x7d: {  	_ =	shalt  }
0x7e: {  	_ =	shalt  }
0x7f: {  	_ =	shalt  }
0x80: {  	_ =	shalt  }
0x81: {  	_ =	shalt  }
0x82: {  	_ =	shalt  }
0x83: {  	_ =	shalt  }
0x84: {  	_ =	shalt  }
0x85: {  	_ =	shalt  }
0x86: {  	_ =	shalt  }
0x87: {  	_ =	shalt  }
.Lfunc_end0:
.L_simem_size_0:
called_computation_lowered:
.L_overlay_start_0:
0x88: {  	s0 =	sld [smem:$0x3FD9]  }
0x89: {  	s1 =	sld [smem:$0x3FFE];
	_ =	sdelay $0x3  }
0x8a: {  	s0 =	sadd.s32 s1, s0  }
0x8b: {  	[smem:$0x3FC7] =	sst s0  }
0x8c: {  	_ = 	snop  }
0x8d: {  	s0 =	sld [smem:$0x3FC9]  }
0x8e: {  	s17 =	sld [smem:$0x3FD0];
	(tm) =	ssettm $0x1  }
0x8f: {  	s2 =	sld [smem:$0x3FFB];
	_ =	sdelay $0x3  }
0x90: {  	_ =	strace s2  }
0x91: {  	s2 =	sld [smem:$0x3FFC];
	_ =	sdelay $0x3  }
0x92: {  	_ =	strace s2  }
0x93: {  	s2 =	sld [smem:$0x3FFD];
	_ =	sdelay $0x3  }
0x94: {  	_ =	strace s2  }
0x95: {  	_ =	strace $0x8FFFFFFF  }
0x96: {  	s18 =	sld [smem:$0x3FDB];
	_ =	sdelay $0x1  }
0x97: {  	s3 =	simm.s32 $_scs_section_size  }
0x98: {  	s4 =	simm.s32 $_size__tile_overlayer_lowered;
	s5 =	simm.s32 $_tile_overlayer_lowered  }
0x99: {  	s21 =	simm.s32 $0x1BFF;
	s20 =	sshll.u32 s5, $0x1;
	s2 =	sadd.s32 s3, s18  }
0x9a: {  	s6 =	simm.s32 $0x0;
	s19 =	sshll.u32 s4, $0x1;
	s4 =	sadd.s32 s20, s2  }
0x9b: {  	[timem:s6], [sflag:s21] =	dma.local [hbm:s4], s19  }
0x9c: {  	_ =	swait.ge [sflag:s21], s19  }
0x9d: {  	s3 =	ssub.s32 $0x0, s19;
	[sflag:s21] =	ssyncset.done $0x0  }
0x9e: {  	[sflag:s21] =	ssyncadd.s32 s3;
	_ =	sdelay $0x1  }
0x9f: {  	s22 =	simm.s32 $0x1B8B  }
0xa0: {  	_ =	swait.ge [sflag:s22], $0x1  }
0xa1: {  	[sflag:s22] =	ssyncset.done $0x0  }
0xa2: {  	s23 =	simm.s32 $0x1B8E;
	[sflag:s22] =	ssyncadd.s32 $0xFFFFFFFF  }
0xa3: {  	s24 =	simm.s32 $execute0_lowered;
	[smem:$0x3FD2] =	sst s23  }
0xa4: {  	s3 =	sshll.u32 s24, $0x1;
	_ =	strace $0x80000046;
	[dreg:$0x1] =	wrdreg $0xFFFFFFFF  }
0xa5: {  	s25 =	simm.s32 $_size_execute0_lowered;
	s2 =	sadd.s32 s2, s3;
	[dreg:$0x0] =	wrdreg $0x0  }
0xa6: {  	s3 =	sshll.u32 s25, $0x1;
	[dreg:$0x2] =	wrdreg s2  }
0xa7: {  	[dreg:$0x3] =	wrdreg s3  }
0xa8: {  	[dreg:$0x4] =	wrdreg $0xC0  }
0xa9: {  	_ =	task [dreg:s6], $0x5FFFF  }
0xaa: {  	[dreg:$0x1] =	wrdreg $0xFFFFFFFF  }
0xab: {  	[dreg:$0x0] =	wrdreg $0x60  }
0xac: {  	[dreg:$0x2] =	wrdreg s0  }
0xad: {  	[dreg:$0x3] =	wrdreg s17  }
0xae: {  	[dreg:$0x4] =	wrdreg $0x0  }
0xaf: {  	[dreg:$0x5] =	wrdreg $0x9  }
0xb0: {  	_ =	task.clear_ibuf [dreg:s6], $0x6FFFF;
	_ =	strace $0x90000046  }
0xb1: {  	s26 =	simm.s32 $0x9;
	_ =	strace $0x80000048  }
0xb2: {  	_ =	swait.ge [sflag:s26], $0x1  }
0xb3: {  	[sflag:s26] =	ssyncadd.s32 $0xFFFFFFFF  }
0xb4: {  	_ =	strace $0x90000048  }
0xb5: {  	_ =	sfence  }
0xb6: {  	s28 =	sld [smem:$0x0];
	_ =	sdelay $0x1  }
0xb7: {  	s29 =	srdreg.scid  }
0xb8: {  	s30 =	sshll.u32 s29, $0xD;
	s31 =	sshrl.u32 s29, $0x2  }
0xb9: {  	s1 =	sand.u32 $0x1, s29;
	s2 =	sand.u32 $0x4000, s30;
	s0 =	sadd.s32 s31, s28  }
0xba: {  	s1 =	sor.u32 s2, s1;
	s0 =	sshll.u32 s0, $0x11  }
0xbb: {  	s0 =	sor.u32 s0, s1  }
0xbc: {  	s0 =	sadd.s32 $0x8F2B, s0  }
0xbd: {  	[sflag:s0] =	ssyncadd.remote.s32 $0x1  }
0xbe: {  	_ =	sfence.sel $0xFFFF  }
0xbf: {  	[dreg:$0x0] =	wrdreg $0xFFFFFFFF;
	(pc) =	sbr.abs _section_cstart, $3  }
0xc0: {  	[dreg:$0x1] =	wrdreg $0xFFFFFFFF  }
0xc1: {  	_ =	task.clear_ibuf [dreg:s6], $0x2FFFF;
	_ =	strace $0x9FFFFFFF  }
0xc2: {  	(tm) =	ssettm $0x7FFFFFFF  }
0xc3: {  	_ =	shalt  }
tec
execute0_lowered:
.L_overlay_start_1:
0x0: {  	(tag) =	ssettag $0x1  }
0x1: {  	s5 =	rddreg [dreg:$0x0]  }
0x2: {  	s2 =	rddreg [dreg:$0x1]  }
0x3: {  	s4 =	rddreg [dreg:$0x2]  }
0x4: {  	s0 =	rddreg [dreg:$0x3];
	s6 =	simm.s32 $0x0;
	s1 =	stileid.u32  }
0x5: {  	s7 =	simm.s32 $0x100;
	[smem:$0x7FF] =	sst s6;
	s3 =	sshll.u32 s1, $0x8  }
0x6: {  	s31 =	simm.s32 $0x1;
	_ =	strace $0x80000047;
	s5 =	sadd.s32 s5, s3  }
0x7: {  	[tilespmem:s7], [sflag:$0x1] =	stream.linear.gather [hbm4b:s5+s6], $0x800, $0x38;
	[tilespmem:$0x2200] =	vst v63  }
0x8: {  	_ =	swait.ge [sflag:s31], $0x800  }
0x9: {  	[sflag:s31] =	ssyncset.done $0x0  }
0xa: {  	v0 =	vimm.s32 $0x0;
	[sflag:s31] =	ssyncadd.s32 $0xFFFFF800  }
0xb: {  	[tilespmem:$0x900] =	vst v0  }
0xc: {  	[tilespmem:$0x910] =	vst v0  }
0xd: {  	[tilespmem:$0x920] =	vst v0  }
0xe: {  	[tilespmem:$0x930] =	vst v0  }
0xf: {  	[tilespmem:$0x940] =	vst v0  }
0x10: {  	[tilespmem:$0x950] =	vst v0  }
0x11: {  	[tilespmem:$0x960] =	vst v0  }
0x12: {  	[tilespmem:$0x970] =	vst v0  }
0x13: {  	[tilespmem:$0x980] =	vst v0  }
0x14: {  	[tilespmem:$0x990] =	vst v0  }
0x15: {  	[tilespmem:$0x9A0] =	vst v0  }
0x16: {  	[tilespmem:$0x9B0] =	vst v0  }
0x17: {  	[tilespmem:$0x9C0] =	vst v0  }
0x18: {  	[tilespmem:$0x9D0] =	vst v0  }
0x19: {  	[tilespmem:$0x9E0] =	vst v0  }
0x1a: {  	s5 =	simm.s32 $0xFFFFFFFC;
	s6 =	simm.s32 $0x120;
	s7 =	simm.s32 $0x900;
	[tilespmem:$0x9F0] =	vst v0;
	v0 =	vimm.s32 $0x1  }
.LBB2_1:
0x1b: {  	v1 =	vld [tilespmem:s6+$0xFFFFFFE0];
	_ =	sdelay $0x4  }
0x1c: {  	v1 =	vshrl.u32 v1, $0x18;
	_ =	sdelay $0x4  }
0x1d: {  	[tilespmem:v1+s7+$0x0] =	vst.idx.add.s32.msk $0xffff, v0  }
0x1e: {  	v1 =	vld [tilespmem:s6+$0xFFFFFFF0];
	_ =	sdelay $0x4  }
0x1f: {  	v1 =	vshrl.u32 v1, $0x18;
	_ =	sdelay $0x4  }
0x20: {  	[tilespmem:v1+s7+$0x0] =	vst.idx.add.s32.msk $0xffff, v0  }
0x21: {  	v1 =	vld [tilespmem:s6+$0x0];
	_ =	sdelay $0x4  }
0x22: {  	v1 =	vshrl.u32 v1, $0x18;
	_ =	sdelay $0x4  }
0x23: {  	[tilespmem:v1+s7+$0x0] =	vst.idx.add.s32.msk $0xffff, v0  }
0x24: {  	v1 =	vld [tilespmem:s6+$0x10];
	_ =	sdelay $0x3  }
0x25: {  	s5 =	sadd.s32 $0x4, s5  }
0x26: {  	p0 =	slt.u32 s5, $0x7C;
	v1 =	vshrl.u32 v1, $0x18  }
.Ltmp0:
0x27: {  	_ = 	snop;
	(pc) =	sbr.rel @p0 .LBB2_1-.Ltmp0, $2  }
0x28: {  	_ =	sdelay $0x2  }
0x29: {  	s6 =	sadd.s32 $0x40, s6;
	[tilespmem:v1+s7+$0x0] =	vst.idx.add.s32.msk $0xffff, v0  }
0x2a: {  	s5 =	sand.u32 $0x800, s3;
	s6 =	sshll.u32 s1, $0x7;
	s21 =	simm.s32 $0x80  }
0x2b: {  	s7 =	simm.s32 $0x400;
	s6 =	sand.u32 $0x380, s6;
	s5 =	sadd.s32 s5, s4  }
0x2c: {  	s8 =	simm.s32 $0x900;
	s22 =	simm.s32 $0x1;
	s5 =	sadd.s32 s6, s5  }
0x2d: {  	[spmem:s5] =	stream.strided.scatter [tilespmem:s8], [sflag:$0x1], $0x100, s7, s21, $0x38;
	[tilespmem:$0x2200] =	vst v63  }
0x2e: {  	_ =	swait.ge [sflag:s22], $0x100  }
0x2f: {  	[sflag:s22] =	ssyncset.done $0x0  }
0x30: {  	[sflag:s22] =	ssyncadd.s32 $0xFFFFFF00  }
0x31: {  	s23 =	simm.s32 $0xA00;
	[bflag:$0x0] =	sbarrier.arrive $0xFFFF  }
0x32: {  	[tilespmem:s23], [sflag:$0x1] =	stream.linear.gather [spmem:s4], $0x1000, $0x38;
	[tilespmem:$0x2200] =	vst v63  }
0x33: {  	_ =	swait.ge [sflag:s22], $0x1000  }
0x34: {  	s6 =	simm.s32 $0x0;
	[sflag:s22] =	ssyncset.done $0x0  }
0x35: {  	s24 =	sand.u32 $0x70, s6;
	s25 =	sand.u32 $0x400, s6;
	[sflag:s22] =	ssyncadd.s32 $0xFFFFF000  }
0x36: {  	s7 =	sor.u32 s24, s25;
	[bflag:$0x0] =	sbarrier.arrive $0xFFFF  }
0x37: {  	v0 =	vld [tilespmem:s7+$0xA00]  }
0x38: {  	v1 =	vld [tilespmem:s7+$0xA80]  }
0x39: {  	v2 =	vld [tilespmem:s7+$0xB00]  }
0x3a: {  	v3 =	vld [tilespmem:s7+$0xB80]  }
0x3b: {  	v4 =	vld [tilespmem:s7+$0xC00]  }
0x3c: {  	s26 =	sor.u32 s6, s6;
	v5 =	vld [tilespmem:s7+$0xC80]  }
0x3d: {  	s8 =	sor.u32 $0x380, s26;
	v6 =	vld [tilespmem:s7+$0xD00]  }
0x3e: {  	v0 =	vadd.s32 v0, v1;
	v1 =	vld [tilespmem:s8+$0xA00]  }
0x3f: {  	v0 =	vadd.s32 v2, v0;
	v2 =	vld [tilespmem:s7+$0x1200]  }
0x40: {  	v0 =	vadd.s32 v3, v0;
	v3 =	vld [tilespmem:s7+$0x1280]  }
0x41: {  	v0 =	vadd.s32 v4, v0;
	v4 =	vld [tilespmem:s7+$0x1300]  }
0x42: {  	v0 =	vadd.s32 v5, v0;
	v5 =	vld [tilespmem:s7+$0x1380]  }
0x43: {  	v0 =	vadd.s32 v6, v0;
	v6 =	vld [tilespmem:s7+$0x1400]  }
0x44: {  	s28 =	simm.s32 $0x10;
	s9 =	simm.s32 $0x80;
	v0 =	vadd.s32 v1, v0;
	v1 =	vld [tilespmem:s7+$0x1480]  }
0x45: {  	s10 =	sand.u32 $0x70, s28;
	s11 =	sand.u32 $0x400, s9;
	v0 =	vadd.s32 v2, v0;
	v2 =	vld [tilespmem:s7+$0x1500]  }
0x46: {  	s11 =	sor.u32 s10, s11;
	v0 =	vadd.s32 v3, v0;
	v3 =	vld [tilespmem:s7+$0x1580]  }
0x47: {  	v0 =	vadd.s32 v4, v0;
	v4 =	vld [tilespmem:s11+$0xA00]  }
0x48: {  	v0 =	vadd.s32 v5, v0;
	v5 =	vld [tilespmem:s11+$0xA80]  }
0x49: {  	v0 =	vadd.s32 v6, v0;
	v6 =	vld [tilespmem:s11+$0xB00]  }
0x4a: {  	v0 =	vadd.s32 v1, v0;
	v1 =	vld [tilespmem:s11+$0xB80]  }
0x4b: {  	v0 =	vadd.s32 v2, v0;
	v2 =	vld [tilespmem:s11+$0xC00]  }
0x4c: {  	s29 =	sor.u32 s9, s28;
	v0 =	vadd.s32 v3, v0;
	v3 =	vld [tilespmem:s11+$0xC80]  }
0x4d: {  	s7 =	sor.u32 $0x380, s29;
	(xrf0) =	vadd.scan.msk.s32 $0xffff, v0;
	v4 =	vadd.s32 v4, v5;
	v5 =	vld [tilespmem:s11+$0xD00]  }
0x4e: {  	v7 =	vld [tilespmem:s7+$0xA00];
	v4 =	vadd.s32 v6, v4  }
0x4f: {  	v1 =	vadd.s32 v1, v4;
	v4 =	vld [tilespmem:s11+$0x1200]  }
0x50: {  	v1 =	vadd.s32 v2, v1;
	v2 =	vld [tilespmem:s11+$0x1280]  }
0x51: {  	v1 =	vadd.s32 v3, v1;
	v3 =	vld [tilespmem:s11+$0x1300]  }
0x52: {  	v5 =	vadd.s32 v5, v1  }
0x53: {  	v6 =	vld [tilespmem:s11+$0x1380];
	v1 =	vimm.s32 $0x0;
	v8, _, _ =	vpop (xrf0);
	v5 =	vadd.s32 v7, v5  }
0x54: {  	v7 =	vld [tilespmem:s11+$0x1400];
	(v2sf) =	vpush v8, $0xF;
	v4 =	vadd.s32 v4, v5;
	v5 =	vadd.s32 s6, v8  }
0x55: {  	s9 =	simm.s32 $0x100;
	s8 =	simm.s32 $0x20;
	v8 =	vld [tilespmem:s11+$0x1480];
	v2 =	vadd.s32 v2, v4;
	vm0 =	vgt.s32 v5, $0x6FFF;
	v4 =	vsub.s32 v5, v0  }
0x56: {  	s31 =	sand.u32 $0x400, s9;
	v9 =	vld [tilespmem:s11+$0x1500];
	s30 =	sand.u32 $0x70, s8;
	vm2 =	vlt.s32 v5, $0x7000;
	v11 =	vadd.s32 v3, v2;
	vm1 =	vlt.s32 v4, $0x7000  }
0x57: {  	s10 =	simm.s32 $0x30;
	v10 =	vld [tilespmem:s11+$0x1580];
	s7 =	sor.u32 s30, s31;
	v3 =	vimm.s32 $0x0;
	v2 =	vimm.s32 $0x0;
	v4 =	vimm.s32 $0x0  }
.LBB2_3:
0x58: {  	p0 =	sne.s32 s10, $0xF0;
	v12 =	vld [tilespmem:s7+$0xA00];
	v6 =	vadd.s32 v6, v11;
	vm0 =	vmand vm0, vm1;
	v11 =	vsel vm2, $0x1, v1  }
0x59: {  	v13 =	vld [tilespmem:s7+$0xA80];
	v6 =	vadd.s32 v7, v6;
	v5 =	vnsel vm0, $0x0, v5;
	v0 =	vnsel vm0, $0x0, v0  }
0x5a: {  	v7 =	vld [tilespmem:s7+$0xB00];
	v6 =	vadd.s32 v8, v6;
	v3 =	vadd.s32 v3, v5;
	v2 =	vadd.s32 v2, v0  }
0x5b: {  	v4 =	vadd.s32 v11, v4;
	v5 =	vld [tilespmem:s7+$0xB80];
	v0 =	vadd.s32 v9, v6  }
0x5c: {  	v6 =	vld [tilespmem:s7+$0xC00];
	v0 =	vadd.s32 v10, v0  }
0x5d: {  	s11 =	sor.u32 s9, s8;
	s8 =	smov.u32 s10;
	v8 =	vld [tilespmem:s7+$0xC80];
	(xrf0) =	vadd.scan.msk.s32 $0xffff, v0  }
0x5e: {  	s11 =	sor.u32 $0x380, s11;
	v9 =	vadd.s32 v12, v13;
	v10 =	vld [tilespmem:s7+$0xD00]  }
0x5f: {  	v7 =	vadd.s32 v7, v9;
	v9 =	vld [tilespmem:s11+$0xA00]  }
0x60: {  	v5 =	vadd.s32 v5, v7;
	v11 =	vld [tilespmem:s7+$0x1200]  }
0x61: {  	v5 =	vadd.s32 v6, v5;
	v12 =	vld [tilespmem:s7+$0x1280]  }
0x62: {  	v5 =	vadd.s32 v8, v5;
	v13 =	vld [tilespmem:s7+$0x1300]  }
.Ltmp1:
0x63: {  	v5 =	vadd.s32 v10, v5;
	v6 =	vld [tilespmem:s7+$0x1380];
	v10, _, _ =	vpop (xrf0);
	s11 =	spop (v2sf);
	(pc) =	sbr.rel @p0 .LBB2_3-.Ltmp1, $4  }
0x64: {  	v5 =	vadd.s32 v9, v5;
	v7 =	vld [tilespmem:s7+$0x1400];
	(v2sf) =	vpush v10, $0xF;
	s6 =	sadd.s32 s6, s11  }
0x65: {  	s9 =	sadd.s32 $0x80, s9;
	v9 =	vadd.s32 v11, v5;
	v8 =	vld [tilespmem:s7+$0x1480];
	v5 =	vadd.s32 s6, v10  }
0x66: {  	s12 =	sand.u32 $0x400, s9;
	s11 =	sand.u32 $0x70, s10;
	v10 =	vadd.s32 v12, v9;
	v9 =	vld [tilespmem:s7+$0x1500];
	vm0 =	vgt.s32 v5, $0x6FFF;
	v12 =	vsub.s32 v5, v0  }
0x67: {  	s10 =	sadd.s32 $0x10, s10;
	vm2 =	vlt.s32 v5, $0x7000;
	v11 =	vadd.s32 v13, v10;
	v10 =	vld [tilespmem:s7+$0x1580];
	s7 =	sor.u32 s11, s12;
	vm1 =	vlt.s32 v12, $0x7000  }
0x68: {  	v12 =	vld [tilespmem:s7+$0xA00]  }
0x69: {  	v13 =	vld [tilespmem:s7+$0xA80]  }
0x6a: {  	v14 =	vld [tilespmem:s7+$0xB00]  }
0x6b: {  	v15 =	vld [tilespmem:s7+$0xB80];
	v6 =	vadd.s32 v6, v11  }
0x6c: {  	v46 =	vld [tilespmem:s7+$0xC00];
	v6 =	vadd.s32 v7, v6  }
0x6d: {  	s8 =	sor.u32 s9, s8;
	v7 =	vld [tilespmem:s7+$0xC80];
	v6 =	vadd.s32 v8, v6  }
0x6e: {  	v48 =	vld [tilespmem:s7+$0xD00];
	s8 =	sor.u32 $0x380, s8;
	v6 =	vadd.s32 v9, v6;
	v47 =	vadd.s32 v12, v13  }
0x6f: {  	v49 =	vld [tilespmem:s8+$0xA00];
	v6 =	vadd.s32 v10, v6;
	v8 =	vadd.s32 v14, v47  }
0x70: {  	v50 =	vld [tilespmem:s7+$0x1200];
	(xrf0) =	vadd.scan.msk.s32 $0xffff, v6;
	v8 =	vadd.s32 v15, v8  }
0x71: {  	v51 =	vld [tilespmem:s7+$0x1280];
	v8 =	vadd.s32 v46, v8  }
0x72: {  	v52 =	vld [tilespmem:s7+$0x1300];
	v7 =	vadd.s32 v7, v8  }
0x73: {  	v53 =	vld [tilespmem:s7+$0x1380];
	v7 =	vadd.s32 v48, v7  }
0x74: {  	v54 =	vld [tilespmem:s7+$0x1400];
	v7 =	vadd.s32 v49, v7  }
0x75: {  	v55 =	vld [tilespmem:s7+$0x1480];
	v7 =	vadd.s32 v50, v7  }
0x76: {  	v56 =	vld [tilespmem:s7+$0x1500];
	v57, _, _ =	vpop (xrf0);
	v7 =	vadd.s32 v51, v7  }
0x77: {  	v58 =	vld [tilespmem:s7+$0x1580];
	(v2sf) =	vpush v57, $0xF;
	v7 =	vadd.s32 v52, v7  }
0x78: {  	v7 =	vadd.s32 v53, v7  }
0x79: {  	v7 =	vadd.s32 v54, v7  }
0x7a: {  	v7 =	vadd.s32 v55, v7  }
0x7b: {  	v7 =	vadd.s32 v56, v7  }
0x7c: {  	v7 =	vadd.s32 v58, v7  }
0x7d: {  	(xrf0) =	vadd.scan.msk.s32 $0xffff, v7;
	_ =	sdelay $0x5  }
0x7e: {  	v60 =	vimm.s32 $0x0;
	v59, _, _ =	vpop (xrf0)  }
0x7f: {  	[tilespmem:$0x900] =	vst v60;
	(v2sf) =	vpush v59, $0xF  }
0x80: {  	[tilespmem:$0x910] =	vst v60;
	s29 =	spop (v2sf)  }
0x81: {  	[tilespmem:$0x920] =	vst v60;
	s6 =	sadd.s32 s6, s29;
	s30 =	spop (v2sf)  }
0x82: {  	[tilespmem:$0x930] =	vst v60;
	v61 =	vadd.s32 s6, v57;
	s6 =	sadd.s32 s6, s30  }
0x83: {  	v62 =	vsel vm2, $0x1, v1;
	[tilespmem:$0x940] =	vst v60;
	vm10 =	vlt.s32 v61, $0x7000;
	v8 =	vadd.s32 s6, v59  }
0x84: {  	v4 =	vadd.s32 v62, v4;
	[tilespmem:$0x950] =	vst v60;
	v63 =	vsel vm10, $0x1, v1;
	vm11 =	vlt.s32 v8, $0x7000  }
0x85: {  	[tilespmem:$0x960] =	vst v60;
	v4 =	vadd.s32 v63, v4;
	v1 =	vsel vm11, $0x1, v1  }
0x86: {  	vm0 =	vmand vm0, vm1;
	[tilespmem:$0x970] =	vst v60;
	v1 =	vadd.s32 v1, v4  }
0x87: {  	v0 =	vnsel vm0, $0x0, v0;
	[tilespmem:$0x980] =	vst v60;
	v4 =	vnsel vm0, $0x0, v5;
	(xrf0) =	vadd.scan.msk.s32 $0xffff, v1  }
0x88: {  	[tilespmem:$0x990] =	vst v60;
	v0 =	vadd.s32 v2, v0;
	v1 =	vadd.s32 v3, v4;
	v3 =	vsub.s32 v61, v6  }
0x89: {  	[tilespmem:$0x9A0] =	vst v60;
	vm12 =	vgt.s32 v61, $0x6FFF;
	vm13 =	vlt.s32 v3, $0x7000;
	v3 =	vsub.s32 v8, v7  }
0x8a: {  	[tilespmem:$0x9B0] =	vst v60;
	vm14 =	vgt.s32 v8, $0x6FFF;
	vm0 =	vmand vm12, vm13;
	vm15 =	vlt.s32 v3, $0x7000  }
0x8b: {  	[tilespmem:$0x9C0] =	vst v60;
	v2 =	vnsel vm0, $0x0, v61;
	vm1 =	vmand vm14, vm15  }
0x8c: {  	[tilespmem:$0x9D0] =	vst v60;
	v3 =	vnsel vm0, $0x0, v6;
	v1 =	vadd.s32 v1, v2;
	v2 =	vnsel vm1, $0x0, v8  }
0x8d: {  	s7 =	simm.s32 $0x120;
	[tilespmem:$0x9E0] =	vst v60;
	v3 =	vadd.s32 v0, v3;
	v4 =	vnsel vm1, $0x0, v7;
	v1 =	vadd.s32 v1, v2;
	v0, _, _ =	vpop (xrf0)  }
0x8e: {  	[tilespmem:$0x9F0] =	vst v60;
	s8 =	simm.s32 $0x900;
	s6 =	simm.s32 $0xFFFFFFFC;
	v2 =	vadd.s32 v3, v4;
	v4 =	vimm.s32 $0x1;
	v3 =	vbroadcast v0, $0xF;
	s31 =	spop (v2sf)  }
.LBB2_5:
0x8f: {  	v5 =	vld [tilespmem:s7+$0xFFFFFFE0];
	_ =	sdelay $0x4  }
0x90: {  	v6 =	vshra.s32 v5, $0x18  }
0x91: {  	v5 =	vshrl.u32 v5, $0x10;
	vm0 =	veq.s32 v6, v3  }
0x92: {  	v5 =	vand.u32 $0xFF, v5;
	_ =	sdelay $0x4  }
0x93: {  	[tilespmem:v5+s8+$0x0] =	vst.idx.add.s32.msk vm0, v4  }
0x94: {  	v5 =	vld [tilespmem:s7+$0xFFFFFFF0];
	_ =	sdelay $0x4  }
0x95: {  	v6 =	vshra.s32 v5, $0x18  }
0x96: {  	v5 =	vshrl.u32 v5, $0x10;
	vm13 =	veq.s32 v6, v3  }
0x97: {  	v5 =	vand.u32 $0xFF, v5;
	_ =	sdelay $0x4  }
0x98: {  	[tilespmem:v5+s8+$0x0] =	vst.idx.add.s32.msk vm13, v4  }
0x99: {  	v5 =	vld [tilespmem:s7+$0x0];
	_ =	sdelay $0x4  }
0x9a: {  	v6 =	vshra.s32 v5, $0x18  }
0x9b: {  	v5 =	vshrl.u32 v5, $0x10;
	vm14 =	veq.s32 v6, v3  }
0x9c: {  	v5 =	vand.u32 $0xFF, v5;
	_ =	sdelay $0x4  }
0x9d: {  	[tilespmem:v5+s8+$0x0] =	vst.idx.add.s32.msk vm14, v4  }
0x9e: {  	v5 =	vld [tilespmem:s7+$0x10];
	_ =	sdelay $0x4  }
0x9f: {  	v6 =	vshra.s32 v5, $0x18  }
0xa0: {  	s6 =	sadd.s32 $0x4, s6;
	v5 =	vshrl.u32 v5, $0x10;
	vm15 =	veq.s32 v6, v3  }
0xa1: {  	p0 =	slt.u32 s6, $0x7C;
	v5 =	vand.u32 $0xFF, v5  }
.Ltmp2:
0xa2: {  	_ = 	snop;
	(pc) =	sbr.rel @p0 .LBB2_5-.Ltmp2, $2  }
0xa3: {  	_ =	sdelay $0x2  }
0xa4: {  	s7 =	sadd.s32 $0x40, s7;
	[tilespmem:v5+s8+$0x0] =	vst.idx.add.s32.msk vm15, v4  }
0xa5: {  	(xrf0) =	vadd.scan.msk.s32 $0xffff, v1  }
0xa6: {  	(xrf0) =	vadd.scan.msk.s32 $0xffff, v2;
	_ =	sdelay $0x4  }
0xa7: {  	v1, _, _ =	vpop (xrf0)  }
0xa8: {  	(v2sf) =	vpush v1, $0xF;
	v1, _, _ =	vpop (xrf0)  }
0xa9: {  	(v2sf) =	vpush v1, $0xF;
	_ =	sdelay $0xb  }
0xaa: {  	s6 =	simm.s32 $0x80;
	s7 =	simm.s32 $0x400;
	s9 =	simm.s32 $0x900  }
0xab: {  	[spmem:s5] =	stream.strided.scatter [tilespmem:s9], [sflag:$0x1], $0x100, s7, s6, $0x38;
	[tilespmem:$0x2200] =	vst v63  }
0xac: {  	s8 =	spop (v2sf)  }
0xad: {  	s22 =	simm.s32 $0x1;
	s6 =	spop (v2sf)  }
0xae: {  	_ =	swait.ge [sflag:s22], $0x100  }
0xaf: {  	[sflag:s22] =	ssyncset.done $0x0  }
0xb0: {  	[sflag:s22] =	ssyncadd.s32 $0xFFFFFF00  }
0xb1: {  	s23 =	simm.s32 $0xA00;
	[bflag:$0x0] =	sbarrier.arrive $0xFFFF  }
0xb2: {  	[tilespmem:s23], [sflag:$0x1] =	stream.linear.gather [spmem:s4], $0x1000, $0x38;
	[tilespmem:$0x2200] =	vst v63  }
0xb3: {  	_ =	swait.ge [sflag:s22], $0x1000  }
0xb4: {  	s7 =	simm.s32 $0x0;
	[sflag:s22] =	ssyncset.done $0x0  }
0xb5: {  	s24 =	sand.u32 $0x70, s7;
	s10 =	sand.u32 $0x400, s7;
	[sflag:s22] =	ssyncadd.s32 $0xFFFFF000  }
0xb6: {  	s9 =	sor.u32 s24, s10;
	[bflag:$0x0] =	sbarrier.arrive $0xFFFF  }
0xb7: {  	v1 =	vld [tilespmem:s9+$0xA00]  }
0xb8: {  	v2 =	vld [tilespmem:s9+$0xA80]  }
0xb9: {  	v3 =	vld [tilespmem:s9+$0xB00]  }
0xba: {  	v4 =	vld [tilespmem:s9+$0xB80]  }
0xbb: {  	v5 =	vld [tilespmem:s9+$0xC00]  }
0xbc: {  	s25 =	sor.u32 s7, s7;
	v6 =	vld [tilespmem:s9+$0xC80]  }
0xbd: {  	s10 =	sor.u32 $0x380, s25;
	v7 =	vld [tilespmem:s9+$0xD00]  }
0xbe: {  	v1 =	vadd.s32 v1, v2;
	v2 =	vld [tilespmem:s10+$0xA00]  }
0xbf: {  	v1 =	vadd.s32 v3, v1;
	v3 =	vld [tilespmem:s9+$0x1200]  }
0xc0: {  	v1 =	vadd.s32 v4, v1;
	v4 =	vld [tilespmem:s9+$0x1280]  }
0xc1: {  	v1 =	vadd.s32 v5, v1;
	v5 =	vld [tilespmem:s9+$0x1300]  }
0xc2: {  	v1 =	vadd.s32 v6, v1;
	v6 =	vld [tilespmem:s9+$0x1380]  }
0xc3: {  	v1 =	vadd.s32 v7, v1;
	v7 =	vld [tilespmem:s9+$0x1400]  }
0xc4: {  	s26 =	simm.s32 $0x10;
	s11 =	simm.s32 $0x80;
	v1 =	vadd.s32 v2, v1;
	v2 =	vld [tilespmem:s9+$0x1480]  }
0xc5: {  	s12 =	sand.u32 $0x70, s26;
	s13 =	sand.u32 $0x400, s11;
	v1 =	vadd.s32 v3, v1;
	v3 =	vld [tilespmem:s9+$0x1500]  }
0xc6: {  	s13 =	sor.u32 s12, s13;
	v1 =	vadd.s32 v4, v1;
	v4 =	vld [tilespmem:s9+$0x1580]  }
0xc7: {  	v1 =	vadd.s32 v5, v1;
	v5 =	vld [tilespmem:s13+$0xA00]  }
0xc8: {  	v1 =	vadd.s32 v6, v1;
	v6 =	vld [tilespmem:s13+$0xA80]  }
0xc9: {  	v1 =	vadd.s32 v7, v1;
	v7 =	vld [tilespmem:s13+$0xB00]  }
0xca: {  	v8 =	vld [tilespmem:s13+$0xB80];
	v1 =	vadd.s32 v2, v1  }
0xcb: {  	v1 =	vadd.s32 v3, v1;
	v3 =	vld [tilespmem:s13+$0xC00]  }
0xcc: {  	s28 =	sor.u32 s11, s26;
	v2 =	vadd.s32 v4, v1;
	v1 =	vld [tilespmem:s13+$0xC80]  }
0xcd: {  	s9 =	sor.u32 $0x380, s28;
	(xrf0) =	vadd.scan.msk.s32 $0xffff, v2;
	v4 =	vadd.s32 v5, v6;
	v5 =	vld [tilespmem:s13+$0xD00]  }
0xce: {  	v6 =	vld [tilespmem:s9+$0xA00];
	v4 =	vadd.s32 v7, v4  }
0xcf: {  	v7 =	vld [tilespmem:s13+$0x1200];
	v4 =	vadd.s32 v8, v4  }
0xd0: {  	v11 =	vld [tilespmem:s13+$0x1280];
	v3 =	vadd.s32 v3, v4  }
0xd1: {  	s8 =	sadd.s32 $0xFFFF9001, s8;
	v1 =	vadd.s32 v1, v3;
	v3 =	vld [tilespmem:s13+$0x1300]  }
0xd2: {  	s29 =	ssub.s32 s6, s8;
	v5 =	vadd.s32 v5, v1  }
0xd3: {  	v8 =	vld [tilespmem:s13+$0x1380];
	v4 =	vimm.s32 $0x0;
	v1 =	vmov s29;
	v10, _, _ =	vpop (xrf0);
	v5 =	vadd.s32 v6, v5  }
0xd4: {  	v9 =	vld [tilespmem:s13+$0x1400];
	(v2sf) =	vpush v10, $0xF;
	v5 =	vadd.s32 v7, v5;
	v7 =	vadd.s32 s7, v10  }
0xd5: {  	s11 =	simm.s32 $0x100;
	s10 =	simm.s32 $0x20;
	v10 =	vld [tilespmem:s13+$0x1480];
	v5 =	vadd.s32 v11, v5;
	vm0 =	vgt.s32 v7, v1;
	v6 =	vsub.s32 v7, v2  }
0xd6: {  	s31 =	sand.u32 $0x400, s11;
	s30 =	sand.u32 $0x70, s10;
	v11 =	vld [tilespmem:s13+$0x1500];
	vm2 =	vle.s32 v7, v1;
	v13 =	vadd.s32 v3, v5;
	vm1 =	vle.s32 v6, v1  }
0xd7: {  	s12 =	simm.s32 $0x30;
	v12 =	vld [tilespmem:s13+$0x1580];
	s9 =	sor.u32 s30, s31;
	v5 =	vimm.s32 $0x0;
	v3 =	vimm.s32 $0x0;
	v6 =	vimm.s32 $0x0  }
.LBB2_7:
0xd8: {  	p0 =	sne.s32 s12, $0xF0;
	v14 =	vld [tilespmem:s9+$0xA00];
	v8 =	vadd.s32 v8, v13;
	vm0 =	vmand vm0, vm1;
	v13 =	vsel vm2, $0x1, v4  }
0xd9: {  	v15 =	vld [tilespmem:s9+$0xA80];
	v8 =	vadd.s32 v9, v8;
	v7 =	vnsel vm0, $0x0, v7;
	v2 =	vnsel vm0, $0x0, v2  }
0xda: {  	v9 =	vld [tilespmem:s9+$0xB00];
	v8 =	vadd.s32 v10, v8;
	v5 =	vadd.s32 v5, v7;
	v3 =	vadd.s32 v3, v2  }
0xdb: {  	v6 =	vadd.s32 v13, v6;
	v7 =	vld [tilespmem:s9+$0xB80];
	v2 =	vadd.s32 v11, v8  }
0xdc: {  	v8 =	vld [tilespmem:s9+$0xC00];
	v2 =	vadd.s32 v12, v2  }
0xdd: {  	s13 =	sor.u32 s11, s10;
	s10 =	smov.u32 s12;
	v10 =	vld [tilespmem:s9+$0xC80];
	(xrf0) =	vadd.scan.msk.s32 $0xffff, v2  }
0xde: {  	s13 =	sor.u32 $0x380, s13;
	v11 =	vadd.s32 v14, v15;
	v12 =	vld [tilespmem:s9+$0xD00]  }
0xdf: {  	v9 =	vadd.s32 v9, v11;
	v11 =	vld [tilespmem:s13+$0xA00]  }
0xe0: {  	v7 =	vadd.s32 v7, v9;
	v13 =	vld [tilespmem:s9+$0x1200]  }
0xe1: {  	v7 =	vadd.s32 v8, v7;
	v14 =	vld [tilespmem:s9+$0x1280]  }
0xe2: {  	v7 =	vadd.s32 v10, v7;
	v15 =	vld [tilespmem:s9+$0x1300]  }
.Ltmp3:
0xe3: {  	v7 =	vadd.s32 v12, v7;
	v8 =	vld [tilespmem:s9+$0x1380];
	v12, _, _ =	vpop (xrf0);
	s13 =	spop (v2sf);
	(pc) =	sbr.rel @p0 .LBB2_7-.Ltmp3, $4  }
0xe4: {  	v7 =	vadd.s32 v11, v7;
	v9 =	vld [tilespmem:s9+$0x1400];
	(v2sf) =	vpush v12, $0xF;
	s7 =	sadd.s32 s7, s13  }
0xe5: {  	s11 =	sadd.s32 $0x80, s11;
	v11 =	vadd.s32 v13, v7;
	v10 =	vld [tilespmem:s9+$0x1480];
	v7 =	vadd.s32 s7, v12  }
0xe6: {  	s14 =	sand.u32 $0x400, s11;
	s13 =	sand.u32 $0x70, s12;
	v12 =	vadd.s32 v14, v11;
	v11 =	vld [tilespmem:s9+$0x1500];
	vm0 =	vgt.s32 v7, v1;
	v14 =	vsub.s32 v7, v2  }
0xe7: {  	s12 =	sadd.s32 $0x10, s12;
	vm2 =	vle.s32 v7, v1;
	v13 =	vadd.s32 v15, v12;
	v12 =	vld [tilespmem:s9+$0x1580];
	s9 =	sor.u32 s13, s14;
	vm1 =	vle.s32 v14, v1  }
0xe8: {  	v8 =	vadd.s32 v8, v13  }
0xe9: {  	v44 =	vld [tilespmem:s9+$0xA00];
	v8 =	vadd.s32 v9, v8  }
0xea: {  	v45 =	vld [tilespmem:s9+$0xA80];
	v8 =	vadd.s32 v10, v8  }
0xeb: {  	v46 =	vld [tilespmem:s9+$0xB00];
	v8 =	vadd.s32 v11, v8  }
0xec: {  	v47 =	vld [tilespmem:s9+$0xB80];
	v8 =	vadd.s32 v12, v8  }
0xed: {  	v48 =	vld [tilespmem:s9+$0xC00];
	(xrf0) =	vadd.scan.msk.s32 $0xffff, v8  }
0xee: {  	v14 =	vld [tilespmem:s9+$0xC80];
	s10 =	sor.u32 s11, s10  }
0xef: {  	v49 =	vld [tilespmem:s9+$0xD00];
	s10 =	sor.u32 $0x380, s10;
	v9 =	vadd.s32 v44, v45  }
0xf0: {  	v50 =	vld [tilespmem:s10+$0xA00];
	v9 =	vadd.s32 v46, v9  }
0xf1: {  	v51 =	vld [tilespmem:s9+$0x1200];
	v9 =	vadd.s32 v47, v9  }
0xf2: {  	v52 =	vld [tilespmem:s9+$0x1280];
	v9 =	vadd.s32 v48, v9  }
0xf3: {  	v53 =	vld [tilespmem:s9+$0x1300];
	v9 =	vadd.s32 v14, v9;
	v15, _, _ =	vpop (xrf0)  }
0xf4: {  	v54 =	vld [tilespmem:s9+$0x1380];
	v9 =	vadd.s32 v49, v9;
	(v2sf) =	vpush v15, $0xF  }
0xf5: {  	v55 =	vld [tilespmem:s9+$0x1400];
	v9 =	vadd.s32 v50, v9  }
0xf6: {  	v56 =	vld [tilespmem:s9+$0x1480];
	v9 =	vadd.s32 v51, v9  }
0xf7: {  	v57 =	vld [tilespmem:s9+$0x1500];
	v9 =	vadd.s32 v52, v9  }
0xf8: {  	v58 =	vld [tilespmem:s9+$0x1580];
	v9 =	vadd.s32 v53, v9  }
0xf9: {  	v9 =	vadd.s32 v54, v9  }
0xfa: {  	v9 =	vadd.s32 v55, v9  }
0xfb: {  	v9 =	vadd.s32 v56, v9  }
0xfc: {  	v9 =	vadd.s32 v57, v9  }
0xfd: {  	v9 =	vadd.s32 v58, v9  }
0xfe: {  	(xrf0) =	vadd.scan.msk.s32 $0xffff, v9;
	_ =	sdelay $0x3  }
0xff: {  	s28 =	spop (v2sf)  }
0x100: {  	s7 =	sadd.s32 s7, s28;
	s29 =	spop (v2sf)  }
0x101: {  	v59 =	vadd.s32 s7, v15;
	v60, _, _ =	vpop (xrf0);
	s7 =	sadd.s32 s7, s29  }
0x102: {  	v61 =	vsel vm2, $0x1, v4;
	vm10 =	vle.s32 v59, v1;
	v62 =	vadd.s32 s7, v60  }
0x103: {  	v6 =	vadd.s32 v61, v6;
	v63 =	vsel vm10, $0x1, v4;
	vm11 =	vle.s32 v62, v1  }
0x104: {  	v6 =	vadd.s32 v63, v6;
	v4 =	vsel vm11, $0x1, v4  }
0x105: {  	v4 =	vadd.s32 v4, v6  }
0x106: {  	(xrf0) =	vadd.scan.msk.s32 $0xffff, v4;
	_ =	sdelay $0x4  }
0x107: {  	(v2sf) =	vpush v60, $0xF  }
0x108: {  	(v2sf) =	vpush v0, $0xF;
	v0, _, _ =	vpop (xrf0)  }
0x109: {  	(v2sf) =	vpush v0, $0xF  }
0x10a: {  	v4 =	vimm.s32 $0x0  }
0x10b: {  	[tilespmem:$0x900] =	vst v4  }
0x10c: {  	[tilespmem:$0x910] =	vst v4  }
0x10d: {  	[tilespmem:$0x920] =	vst v4  }
0x10e: {  	[tilespmem:$0x930] =	vst v4  }
0x10f: {  	[tilespmem:$0x940] =	vst v4  }
0x110: {  	[tilespmem:$0x950] =	vst v4  }
0x111: {  	[tilespmem:$0x960] =	vst v4  }
0x112: {  	vm0 =	vmand vm0, vm1;
	[tilespmem:$0x970] =	vst v4  }
0x113: {  	[tilespmem:$0x980] =	vst v4;
	v0 =	vnsel vm0, $0x0, v7  }
0x114: {  	v2 =	vnsel vm0, $0x0, v2;
	[tilespmem:$0x990] =	vst v4;
	v0 =	vadd.s32 v5, v0;
	v5 =	vsub.s32 v59, v8  }
0x115: {  	vm12 =	vgt.s32 v59, v1;
	[tilespmem:$0x9A0] =	vst v4;
	vm13 =	vle.s32 v5, v1;
	v5 =	vsub.s32 v62, v9  }
0x116: {  	vm14 =	vgt.s32 v62, v1;
	[tilespmem:$0x9B0] =	vst v4;
	s30 =	spop (v2sf);
	vm0 =	vmand vm12, vm13;
	vm15 =	vle.s32 v5, v1  }
0x117: {  	[tilespmem:$0x9C0] =	vst v4;
	s7 =	spop (v2sf);
	v1 =	vadd.s32 v3, v2;
	v2 =	vnsel vm0, $0x0, v59;
	vm1 =	vmand vm14, vm15  }
0x118: {  	[tilespmem:$0x9D0] =	vst v4;
	v3 =	vnsel vm0, $0x0, v8;
	s7 =	sshll.u32 s7, $0x8;
	v0 =	vadd.s32 v0, v2;
	v2 =	vnsel vm1, $0x0, v62;
	s31 =	spop (v2sf)  }
0x119: {  	[tilespmem:$0x9E0] =	vst v4;
	v1 =	vadd.s32 v1, v3;
	v3 =	vnsel vm1, $0x0, v9;
	v0 =	vadd.s32 v0, v2;
	s9 =	sor.u32 s7, s31  }
0x11a: {  	s11 =	simm.s32 $0x900;
	s10 =	simm.s32 $0x120;
	[tilespmem:$0x9F0] =	vst v4;
	v1 =	vadd.s32 v1, v3;
	v3 =	vimm.s32 $0x1;
	s7 =	simm.s32 $0xFFFFFFFC;
	v2 =	vmov s9  }
.LBB2_9:
0x11b: {  	v4 =	vld [tilespmem:s10+$0xFFFFFFE0];
	_ =	sdelay $0x4  }
0x11c: {  	v5 =	vshra.s32 v4, $0x10  }
0x11d: {  	v4 =	vshrl.u32 v4, $0x8;
	vm0 =	veq.s32 v5, v2  }
0x11e: {  	v4 =	vand.u32 $0xFF, v4;
	_ =	sdelay $0x4  }
0x11f: {  	[tilespmem:v4+s11+$0x0] =	vst.idx.add.s32.msk vm0, v3  }
0x120: {  	v4 =	vld [tilespmem:s10+$0xFFFFFFF0];
	_ =	sdelay $0x4  }
0x121: {  	v5 =	vshra.s32 v4, $0x10  }
0x122: {  	v4 =	vshrl.u32 v4, $0x8;
	vm13 =	veq.s32 v5, v2  }
0x123: {  	v4 =	vand.u32 $0xFF, v4;
	_ =	sdelay $0x4  }
0x124: {  	[tilespmem:v4+s11+$0x0] =	vst.idx.add.s32.msk vm13, v3  }
0x125: {  	v4 =	vld [tilespmem:s10+$0x0];
	_ =	sdelay $0x4  }
0x126: {  	v5 =	vshra.s32 v4, $0x10  }
0x127: {  	v4 =	vshrl.u32 v4, $0x8;
	vm14 =	veq.s32 v5, v2  }
0x128: {  	v4 =	vand.u32 $0xFF, v4;
	_ =	sdelay $0x4  }
0x129: {  	[tilespmem:v4+s11+$0x0] =	vst.idx.add.s32.msk vm14, v3  }
0x12a: {  	v4 =	vld [tilespmem:s10+$0x10];
	_ =	sdelay $0x4  }
0x12b: {  	v5 =	vshra.s32 v4, $0x10  }
0x12c: {  	s7 =	sadd.s32 $0x4, s7;
	v4 =	vshrl.u32 v4, $0x8;
	vm15 =	veq.s32 v5, v2  }
0x12d: {  	p0 =	slt.u32 s7, $0x7C;
	v4 =	vand.u32 $0xFF, v4  }
.Ltmp4:
0x12e: {  	_ = 	snop;
	(pc) =	sbr.rel @p0 .LBB2_9-.Ltmp4, $2  }
0x12f: {  	_ =	sdelay $0x2  }
0x130: {  	s10 =	sadd.s32 $0x40, s10;
	[tilespmem:v4+s11+$0x0] =	vst.idx.add.s32.msk vm15, v3  }
0x131: {  	(xrf0) =	vadd.scan.msk.s32 $0xffff, v0  }
0x132: {  	(xrf0) =	vadd.scan.msk.s32 $0xffff, v1;
	_ =	sdelay $0x4  }
0x133: {  	v0, _, _ =	vpop (xrf0)  }
0x134: {  	(v2sf) =	vpush v0, $0xF;
	v0, _, _ =	vpop (xrf0)  }
0x135: {  	(v2sf) =	vpush v0, $0xF;
	_ =	sdelay $0xb  }
0x136: {  	s7 =	simm.s32 $0x80;
	s10 =	simm.s32 $0x400;
	s12 =	simm.s32 $0x900  }
0x137: {  	[spmem:s5] =	stream.strided.scatter [tilespmem:s12], [sflag:$0x1], $0x100, s10, s7, $0x38;
	[tilespmem:$0x2200] =	vst v63  }
0x138: {  	s11 =	spop (v2sf)  }
0x139: {  	s23 =	simm.s32 $0x1;
	s7 =	spop (v2sf)  }
0x13a: {  	_ =	swait.ge [sflag:s23], $0x100  }
0x13b: {  	[sflag:s23] =	ssyncset.done $0x0  }
0x13c: {  	[sflag:s23] =	ssyncadd.s32 $0xFFFFFF00  }
0x13d: {  	s24 =	simm.s32 $0xA00;
	[bflag:$0x0] =	sbarrier.arrive $0xFFFF  }
0x13e: {  	[tilespmem:s24], [sflag:$0x1] =	stream.linear.gather [spmem:s4], $0x1000, $0x38;
	[tilespmem:$0x2200] =	vst v63  }
0x13f: {  	_ =	swait.ge [sflag:s23], $0x1000  }
0x140: {  	s10 =	simm.s32 $0x0;
	[sflag:s23] =	ssyncset.done $0x0  }
0x141: {  	s25 =	sand.u32 $0x70, s10;
	s13 =	sand.u32 $0x400, s10;
	[sflag:s23] =	ssyncadd.s32 $0xFFFFF000  }
0x142: {  	s12 =	sor.u32 s25, s13;
	[bflag:$0x0] =	sbarrier.arrive $0xFFFF  }
0x143: {  	v0 =	vld [tilespmem:s12+$0xA00]  }
0x144: {  	v1 =	vld [tilespmem:s12+$0xA80]  }
0x145: {  	v2 =	vld [tilespmem:s12+$0xB00]  }
0x146: {  	v3 =	vld [tilespmem:s12+$0xB80]  }
0x147: {  	v4 =	vld [tilespmem:s12+$0xC00]  }
0x148: {  	v5 =	vld [tilespmem:s12+$0xC80]  }
0x149: {  	s26 =	sor.u32 s10, s10;
	v6 =	vld [tilespmem:s12+$0xD00]  }
0x14a: {  	s13 =	sor.u32 $0x380, s26;
	v7 =	vld [tilespmem:s12+$0x1580];
	v0 =	vadd.s32 v0, v1  }
0x14b: {  	v1 =	vld [tilespmem:s13+$0xA00];
	v0 =	vadd.s32 v2, v0  }
0x14c: {  	v2 =	vld [tilespmem:s12+$0x1200];
	v0 =	vadd.s32 v3, v0  }
0x14d: {  	v3 =	vld [tilespmem:s12+$0x1280];
	v0 =	vadd.s32 v4, v0  }
0x14e: {  	v4 =	vld [tilespmem:s12+$0x1300];
	v0 =	vadd.s32 v5, v0  }
0x14f: {  	v5 =	vld [tilespmem:s12+$0x1380];
	v0 =	vadd.s32 v6, v0  }
0x150: {  	s28 =	simm.s32 $0x10;
	s14 =	simm.s32 $0x80;
	v6 =	vld [tilespmem:s12+$0x1400];
	v0 =	vadd.s32 v1, v0  }
0x151: {  	s15 =	sand.u32 $0x70, s28;
	s16 =	sand.u32 $0x400, s14;
	v1 =	vld [tilespmem:s12+$0x1480];
	v0 =	vadd.s32 v2, v0  }
0x152: {  	s15 =	sor.u32 s15, s16;
	v2 =	vld [tilespmem:s12+$0x1500];
	v0 =	vadd.s32 v3, v0  }
0x153: {  	v3 =	vld [tilespmem:s15+$0xA00];
	v0 =	vadd.s32 v4, v0  }
0x154: {  	v4 =	vld [tilespmem:s15+$0xA80];
	v0 =	vadd.s32 v5, v0  }
0x155: {  	v5 =	vld [tilespmem:s15+$0xB00];
	v0 =	vadd.s32 v6, v0  }
0x156: {  	v6 =	vld [tilespmem:s15+$0xB80];
	v0 =	vadd.s32 v1, v0  }
0x157: {  	v0 =	vadd.s32 v2, v0;
	v2 =	vld [tilespmem:s15+$0xC00]  }
0x158: {  	s29 =	sor.u32 s14, s28;
	v1 =	vadd.s32 v7, v0;
	v0 =	vld [tilespmem:s15+$0xC80]  }
0x159: {  	s12 =	sor.u32 $0x380, s29;
	v3 =	vadd.s32 v3, v4;
	v4 =	vld [tilespmem:s15+$0xD00];
	(xrf0) =	vadd.scan.msk.s32 $0xffff, v1  }
0x15a: {  	v3 =	vadd.s32 v5, v3;
	v5 =	vld [tilespmem:s12+$0xA00]  }
0x15b: {  	v3 =	vadd.s32 v6, v3;
	v6 =	vld [tilespmem:s15+$0x1200]  }
0x15c: {  	s6 =	ssub.s32 s11, s6;
	v10 =	vld [tilespmem:s15+$0x1280];
	v2 =	vadd.s32 v2, v3  }
0x15d: {  	s6 =	sadd.s32 s8, s6;
	v0 =	vadd.s32 v0, v2;
	v2 =	vld [tilespmem:s15+$0x1300]  }
0x15e: {  	s8 =	ssub.s32 s7, s6;
	v4 =	vadd.s32 v4, v0  }
0x15f: {  	v7 =	vld [tilespmem:s15+$0x1380];
	v3 =	vimm.s32 $0x0;
	v0 =	vmov s8;
	v9, _, _ =	vpop (xrf0);
	v4 =	vadd.s32 v5, v4  }
0x160: {  	v8 =	vld [tilespmem:s15+$0x1400];
	(v2sf) =	vpush v9, $0xF;
	v4 =	vadd.s32 v6, v4;
	v6 =	vadd.s32 s10, v9  }
0x161: {  	s11 =	simm.s32 $0x20;
	s12 =	simm.s32 $0x100;
	v9 =	vld [tilespmem:s15+$0x1480];
	v4 =	vadd.s32 v10, v4;
	vm0 =	vgt.s32 v6, v0;
	v5 =	vsub.s32 v6, v1  }
0x162: {  	s30 =	sand.u32 $0x70, s11;
	s31 =	sand.u32 $0x400, s12;
	v10 =	vld [tilespmem:s15+$0x1500];
	vm2 =	vle.s32 v6, v0;
	v12 =	vadd.s32 v2, v4;
	vm1 =	vle.s32 v5, v0  }
0x163: {  	v11 =	vld [tilespmem:s15+$0x1580];
	s13 =	simm.s32 $0x30;
	s8 =	sor.u32 s30, s31;
	v4 =	vimm.s32 $0x0;
	v2 =	vimm.s32 $0x0;
	v5 =	vimm.s32 $0x0  }
.LBB2_11:
0x164: {  	p0 =	sne.s32 s13, $0xF0;
	v13 =	vld [tilespmem:s8+$0xA00];
	v7 =	vadd.s32 v7, v12;
	vm0 =	vmand vm0, vm1;
	v12 =	vsel vm2, $0x1, v3  }
0x165: {  	v14 =	vld [tilespmem:s8+$0xA80];
	v7 =	vadd.s32 v8, v7;
	v6 =	vnsel vm0, $0x0, v6;
	v1 =	vnsel vm0, $0x0, v1  }
0x166: {  	v8 =	vld [tilespmem:s8+$0xB00];
	v7 =	vadd.s32 v9, v7;
	v4 =	vadd.s32 v4, v6;
	v2 =	vadd.s32 v2, v1  }
0x167: {  	v5 =	vadd.s32 v12, v5;
	v6 =	vld [tilespmem:s8+$0xB80];
	v1 =	vadd.s32 v10, v7  }
0x168: {  	v7 =	vld [tilespmem:s8+$0xC00];
	v1 =	vadd.s32 v11, v1  }
0x169: {  	s14 =	sor.u32 s12, s11;
	s11 =	smov.u32 s13;
	v9 =	vld [tilespmem:s8+$0xC80];
	(xrf0) =	vadd.scan.msk.s32 $0xffff, v1  }
0x16a: {  	s14 =	sor.u32 $0x380, s14;
	v10 =	vadd.s32 v13, v14;
	v11 =	vld [tilespmem:s8+$0xD00]  }
0x16b: {  	v8 =	vadd.s32 v8, v10;
	v10 =	vld [tilespmem:s14+$0xA00]  }
0x16c: {  	v6 =	vadd.s32 v6, v8;
	v12 =	vld [tilespmem:s8+$0x1200]  }
0x16d: {  	v6 =	vadd.s32 v7, v6;
	v13 =	vld [tilespmem:s8+$0x1280]  }
0x16e: {  	v6 =	vadd.s32 v9, v6;
	v14 =	vld [tilespmem:s8+$0x1300]  }
.Ltmp5:
0x16f: {  	v6 =	vadd.s32 v11, v6;
	v7 =	vld [tilespmem:s8+$0x1380];
	v11, _, _ =	vpop (xrf0);
	s14 =	spop (v2sf);
	(pc) =	sbr.rel @p0 .LBB2_11-.Ltmp5, $4  }
0x170: {  	v6 =	vadd.s32 v10, v6;
	v8 =	vld [tilespmem:s8+$0x1400];
	(v2sf) =	vpush v11, $0xF;
	s10 =	sadd.s32 s10, s14  }
0x171: {  	s12 =	sadd.s32 $0x80, s12;
	v10 =	vadd.s32 v12, v6;
	v9 =	vld [tilespmem:s8+$0x1480];
	v6 =	vadd.s32 s10, v11  }
0x172: {  	s15 =	sand.u32 $0x400, s12;
	s14 =	sand.u32 $0x70, s13;
	v11 =	vadd.s32 v13, v10;
	v10 =	vld [tilespmem:s8+$0x1500];
	vm0 =	vgt.s32 v6, v0;
	v13 =	vsub.s32 v6, v1  }
0x173: {  	s13 =	sadd.s32 $0x10, s13;
	vm2 =	vle.s32 v6, v0;
	v12 =	vadd.s32 v14, v11;
	v11 =	vld [tilespmem:s8+$0x1580];
	s8 =	sor.u32 s14, s15;
	vm1 =	vle.s32 v13, v0  }
0x174: {  	v7 =	vadd.s32 v7, v12  }
0x175: {  	v44 =	vld [tilespmem:s8+$0xA00];
	v7 =	vadd.s32 v8, v7  }
0x176: {  	v45 =	vld [tilespmem:s8+$0xA80];
	v7 =	vadd.s32 v9, v7  }
0x177: {  	v46 =	vld [tilespmem:s8+$0xB00];
	v7 =	vadd.s32 v10, v7  }
0x178: {  	v47 =	vld [tilespmem:s8+$0xB80];
	v7 =	vadd.s32 v11, v7  }
0x179: {  	v48 =	vld [tilespmem:s8+$0xC00];
	(xrf0) =	vadd.scan.msk.s32 $0xffff, v7  }
0x17a: {  	v13 =	vld [tilespmem:s8+$0xC80];
	s11 =	sor.u32 s12, s11  }
0x17b: {  	v49 =	vld [tilespmem:s8+$0xD00];
	s11 =	sor.u32 $0x380, s11;
	v8 =	vadd.s32 v44, v45  }
0x17c: {  	v50 =	vld [tilespmem:s11+$0xA00];
	v8 =	vadd.s32 v46, v8  }
0x17d: {  	v51 =	vld [tilespmem:s8+$0x1200];
	v8 =	vadd.s32 v47, v8  }
0x17e: {  	v52 =	vld [tilespmem:s8+$0x1280];
	v8 =	vadd.s32 v48, v8  }
0x17f: {  	v53 =	vld [tilespmem:s8+$0x1300];
	v8 =	vadd.s32 v13, v8;
	v14, _, _ =	vpop (xrf0)  }
0x180: {  	v54 =	vld [tilespmem:s8+$0x1380];
	v8 =	vadd.s32 v49, v8;
	(v2sf) =	vpush v14, $0xF  }
0x181: {  	v55 =	vld [tilespmem:s8+$0x1400];
	v8 =	vadd.s32 v50, v8  }
0x182: {  	v56 =	vld [tilespmem:s8+$0x1480];
	v8 =	vadd.s32 v51, v8  }
0x183: {  	v57 =	vld [tilespmem:s8+$0x1500];
	v8 =	vadd.s32 v52, v8  }
0x184: {  	v58 =	vld [tilespmem:s8+$0x1580];
	v8 =	vadd.s32 v53, v8  }
0x185: {  	v8 =	vadd.s32 v54, v8  }
0x186: {  	v8 =	vadd.s32 v55, v8  }
0x187: {  	v8 =	vadd.s32 v56, v8  }
0x188: {  	v8 =	vadd.s32 v57, v8  }
0x189: {  	v8 =	vadd.s32 v58, v8  }
0x18a: {  	(xrf0) =	vadd.scan.msk.s32 $0xffff, v8;
	_ =	sdelay $0x3  }
0x18b: {  	s29 =	spop (v2sf)  }
0x18c: {  	s8 =	sadd.s32 s10, s29;
	s30 =	spop (v2sf)  }
0x18d: {  	v59 =	vadd.s32 s8, v14;
	v60, _, _ =	vpop (xrf0);
	s8 =	sadd.s32 s8, s30  }
0x18e: {  	v61 =	vsel vm2, $0x1, v3;
	vm10 =	vle.s32 v59, v0;
	v62 =	vadd.s32 s8, v60  }
0x18f: {  	v5 =	vadd.s32 v61, v5;
	v63 =	vsel vm10, $0x1, v3;
	vm11 =	vle.s32 v62, v0  }
0x190: {  	v5 =	vadd.s32 v63, v5;
	v3 =	vsel vm11, $0x1, v3  }
0x191: {  	v3 =	vadd.s32 v3, v5  }
0x192: {  	(xrf0) =	vadd.scan.msk.s32 $0xffff, v3;
	_ =	sdelay $0x5  }
0x193: {  	(v2sf) =	vpush v60, $0xF;
	v3, _, _ =	vpop (xrf0)  }
0x194: {  	(v2sf) =	vpush v3, $0xF  }
0x195: {  	v3 =	vimm.s32 $0x0  }
0x196: {  	[tilespmem:$0x900] =	vst v3  }
0x197: {  	[tilespmem:$0x910] =	vst v3  }
0x198: {  	[tilespmem:$0x920] =	vst v3  }
0x199: {  	[tilespmem:$0x930] =	vst v3  }
0x19a: {  	[tilespmem:$0x940] =	vst v3  }
0x19b: {  	[tilespmem:$0x950] =	vst v3  }
0x19c: {  	[tilespmem:$0x960] =	vst v3  }
0x19d: {  	vm0 =	vmand vm0, vm1;
	[tilespmem:$0x970] =	vst v3  }
0x19e: {  	v5 =	vnsel vm0, $0x0, v6;
	[tilespmem:$0x980] =	vst v3  }
0x19f: {  	v1 =	vnsel vm0, $0x0, v1;
	v4 =	vadd.s32 v4, v5;
	v5 =	vsub.s32 v59, v7;
	[tilespmem:$0x990] =	vst v3  }
0x1a0: {  	vm12 =	vgt.s32 v59, v0;
	vm13 =	vle.s32 v5, v0;
	v5 =	vsub.s32 v62, v8;
	[tilespmem:$0x9A0] =	vst v3  }
0x1a1: {  	vm14 =	vgt.s32 v62, v0;
	vm0 =	vmand vm12, vm13;
	vm15 =	vle.s32 v5, v0;
	[tilespmem:$0x9B0] =	vst v3  }
0x1a2: {  	v0 =	vadd.s32 v2, v1;
	v1 =	vnsel vm0, $0x0, v59;
	vm1 =	vmand vm14, vm15;
	[tilespmem:$0x9C0] =	vst v3;
	s31 =	spop (v2sf)  }
0x1a3: {  	s9 =	sshll.u32 s9, $0x8;
	v2 =	vnsel vm0, $0x0, v7;
	v1 =	vadd.s32 v4, v1;
	v4 =	vnsel vm1, $0x0, v62;
	[tilespmem:$0x9D0] =	vst v3;
	s8 =	spop (v2sf)  }
0x1a4: {  	v2 =	vadd.s32 v0, v2;
	v5 =	vnsel vm1, $0x0, v8;
	v0 =	vadd.s32 v1, v4;
	[tilespmem:$0x9E0] =	vst v3;
	s8 =	sor.u32 s9, s8  }
0x1a5: {  	s11 =	simm.s32 $0x900;
	s10 =	simm.s32 $0x120;
	v1 =	vadd.s32 v2, v5;
	[tilespmem:$0x9F0] =	vst v3;
	v3 =	vimm.s32 $0x1;
	s9 =	simm.s32 $0xFFFFFFFC;
	v2 =	vmov s8  }
.LBB2_13:
0x1a6: {  	v4 =	vld [tilespmem:s10+$0xFFFFFFE0];
	_ =	sdelay $0x4  }
0x1a7: {  	v5 =	vshra.s32 v4, $0x8  }
0x1a8: {  	vm0 =	veq.s32 v5, v2  }
0x1a9: {  	v4 =	vand.u32 $0xFF, v4;
	_ =	sdelay $0x4  }
0x1aa: {  	[tilespmem:v4+s11+$0x0] =	vst.idx.add.s32.msk vm0, v3  }
0x1ab: {  	v4 =	vld [tilespmem:s10+$0xFFFFFFF0];
	_ =	sdelay $0x4  }
0x1ac: {  	v5 =	vshra.s32 v4, $0x8  }
0x1ad: {  	vm13 =	veq.s32 v5, v2  }
0x1ae: {  	v4 =	vand.u32 $0xFF, v4;
	_ =	sdelay $0x4  }
0x1af: {  	[tilespmem:v4+s11+$0x0] =	vst.idx.add.s32.msk vm13, v3  }
0x1b0: {  	v4 =	vld [tilespmem:s10+$0x0];
	_ =	sdelay $0x4  }
0x1b1: {  	v5 =	vshra.s32 v4, $0x8  }
0x1b2: {  	vm14 =	veq.s32 v5, v2  }
0x1b3: {  	v4 =	vand.u32 $0xFF, v4;
	_ =	sdelay $0x4  }
0x1b4: {  	[tilespmem:v4+s11+$0x0] =	vst.idx.add.s32.msk vm14, v3  }
0x1b5: {  	v4 =	vld [tilespmem:s10+$0x10];
	_ =	sdelay $0x4  }
0x1b6: {  	v5 =	vshra.s32 v4, $0x8  }
0x1b7: {  	s9 =	sadd.s32 $0x4, s9;
	vm15 =	veq.s32 v5, v2  }
0x1b8: {  	p0 =	slt.u32 s9, $0x7C;
	v4 =	vand.u32 $0xFF, v4  }
.Ltmp6:
0x1b9: {  	_ = 	snop;
	(pc) =	sbr.rel @p0 .LBB2_13-.Ltmp6, $2  }
0x1ba: {  	_ =	sdelay $0x2  }
0x1bb: {  	s10 =	sadd.s32 $0x40, s10;
	[tilespmem:v4+s11+$0x0] =	vst.idx.add.s32.msk vm15, v3  }
0x1bc: {  	(xrf0) =	vadd.scan.msk.s32 $0xffff, v0  }
0x1bd: {  	(xrf0) =	vadd.scan.msk.s32 $0xffff, v1;
	_ =	sdelay $0x4  }
0x1be: {  	v0, _, _ =	vpop (xrf0)  }
0x1bf: {  	(v2sf) =	vpush v0, $0xF;
	v0, _, _ =	vpop (xrf0)  }
0x1c0: {  	(v2sf) =	vpush v0, $0xF;
	_ =	sdelay $0xb  }
0x1c1: {  	s10 =	simm.s32 $0x80;
	s11 =	simm.s32 $0x400;
	s12 =	simm.s32 $0x900  }
0x1c2: {  	[spmem:s5] =	stream.strided.scatter [tilespmem:s12], [sflag:$0x1], $0x100, s11, s10, $0x38;
	[tilespmem:$0x2200] =	vst v63  }
0x1c3: {  	s9 =	spop (v2sf)  }
0x1c4: {  	s21 =	simm.s32 $0x1;
	s20 =	spop (v2sf)  }
0x1c5: {  	_ =	swait.ge [sflag:s21], $0x100  }
0x1c6: {  	[sflag:s21] =	ssyncset.done $0x0  }
0x1c7: {  	[sflag:s21] =	ssyncadd.s32 $0xFFFFFF00  }
0x1c8: {  	s22 =	simm.s32 $0xA00;
	[bflag:$0x0] =	sbarrier.arrive $0xFFFF  }
0x1c9: {  	[tilespmem:s22], [sflag:$0x1] =	stream.linear.gather [spmem:s4], $0x1000, $0x38;
	[tilespmem:$0x2200] =	vst v63  }
0x1ca: {  	_ =	swait.ge [sflag:s21], $0x1000  }
0x1cb: {  	s4 =	simm.s32 $0x0;
	[sflag:s21] =	ssyncset.done $0x0  }
0x1cc: {  	s23 =	sand.u32 $0x70, s4;
	s24 =	sand.u32 $0x400, s4;
	[sflag:s21] =	ssyncadd.s32 $0xFFFFF000  }
0x1cd: {  	s10 =	sor.u32 s23, s24;
	[bflag:$0x0] =	sbarrier.arrive $0xFFFF  }
0x1ce: {  	v0 =	vld [tilespmem:s10+$0xA00]  }
0x1cf: {  	v1 =	vld [tilespmem:s10+$0xA80]  }
0x1d0: {  	v2 =	vld [tilespmem:s10+$0xB00]  }
0x1d1: {  	v3 =	vld [tilespmem:s10+$0xB80]  }
0x1d2: {  	v4 =	vld [tilespmem:s10+$0xC00]  }
0x1d3: {  	s25 =	sor.u32 s4, s4;
	v5 =	vld [tilespmem:s10+$0xC80]  }
0x1d4: {  	s11 =	sor.u32 $0x380, s25;
	v6 =	vld [tilespmem:s10+$0xD00];
	v0 =	vadd.s32 v0, v1  }
0x1d5: {  	v1 =	vld [tilespmem:s11+$0xA00];
	v0 =	vadd.s32 v2, v0  }
0x1d6: {  	v2 =	vld [tilespmem:s10+$0x1200];
	v0 =	vadd.s32 v3, v0  }
0x1d7: {  	v3 =	vld [tilespmem:s10+$0x1280];
	v0 =	vadd.s32 v4, v0  }
0x1d8: {  	v4 =	vld [tilespmem:s10+$0x1300];
	v0 =	vadd.s32 v5, v0  }
0x1d9: {  	v5 =	vld [tilespmem:s10+$0x1380];
	v0 =	vadd.s32 v6, v0  }
0x1da: {  	v6 =	vld [tilespmem:s10+$0x1400];
	v0 =	vadd.s32 v1, v0  }
0x1db: {  	s26 =	simm.s32 $0x10;
	s28 =	simm.s32 $0x80;
	v1 =	vld [tilespmem:s10+$0x1480];
	v0 =	vadd.s32 v2, v0  }
0x1dc: {  	s13 =	sand.u32 $0x70, s26;
	s14 =	sand.u32 $0x400, s28;
	v2 =	vld [tilespmem:s10+$0x1500];
	v0 =	vadd.s32 v3, v0  }
0x1dd: {  	s13 =	sor.u32 s13, s14;
	v3 =	vld [tilespmem:s10+$0x1580];
	v0 =	vadd.s32 v4, v0  }
0x1de: {  	v4 =	vld [tilespmem:s13+$0xA00];
	v0 =	vadd.s32 v5, v0  }
0x1df: {  	v5 =	vld [tilespmem:s13+$0xA80];
	v0 =	vadd.s32 v6, v0  }
0x1e0: {  	v6 =	vld [tilespmem:s13+$0xB00];
	v0 =	vadd.s32 v1, v0  }
0x1e1: {  	v1 =	vld [tilespmem:s13+$0xB80];
	v0 =	vadd.s32 v2, v0  }
0x1e2: {  	v2 =	vld [tilespmem:s13+$0xC00];
	v0 =	vadd.s32 v3, v0  }
0x1e3: {  	s29 =	sor.u32 s28, s26;
	v3 =	vld [tilespmem:s13+$0xC80];
	(xrf0) =	vadd.scan.msk.s32 $0xffff, v0  }
0x1e4: {  	s10 =	sor.u32 $0x380, s29;
	v0 =	vadd.s32 v4, v5;
	v4 =	vld [tilespmem:s13+$0xD00]  }
0x1e5: {  	v5 =	vld [tilespmem:s10+$0xA00];
	v0 =	vadd.s32 v6, v0  }
0x1e6: {  	v6 =	vld [tilespmem:s13+$0x1200];
	v0 =	vadd.s32 v1, v0  }
0x1e7: {  	v0 =	vadd.s32 v2, v0;
	v2 =	vld [tilespmem:s13+$0x1280]  }
0x1e8: {  	s6 =	sadd.s32 s9, s6;
	v0 =	vadd.s32 v3, v0;
	v3 =	vld [tilespmem:s13+$0x1300]  }
0x1e9: {  	s6 =	ssub.s32 s7, s6;
	v1 =	vadd.s32 v4, v0;
	v4 =	vld [tilespmem:s13+$0x1380];
	v7, _, _ =	vpop (xrf0)  }
0x1ea: {  	s5 =	sadd.s32 s20, s6;
	v8 =	vadd.s32 v5, v1;
	v5 =	vld [tilespmem:s13+$0x1400];
	(v2sf) =	vpush v7, $0xF  }
0x1eb: {  	s7 =	simm.s32 $0x100;
	s6 =	simm.s32 $0x20;
	v0 =	vmov s5;
	v8 =	vadd.s32 v6, v8;
	v6 =	vld [tilespmem:s13+$0x1480];
	v9 =	vadd.s32 s4, v7  }
0x1ec: {  	s31 =	sand.u32 $0x400, s7;
	s30 =	sand.u32 $0x70, s6;
	v1 =	vimm.s32 $0x0;
	v7 =	vld [tilespmem:s13+$0x1500];
	v2 =	vadd.s32 v2, v8;
	vm0 =	vle.s32 v9, v0  }
0x1ed: {  	s9 =	simm.s32 $0x30;
	s5 =	sor.u32 s30, s31;
	v8 =	vld [tilespmem:s13+$0x1580];
	v9 =	vadd.s32 v3, v2;
	v3 =	vsel vm0, $0x1, v1;
	v2 =	vimm.s32 $0x0  }
.LBB2_15:
0x1ee: {  	p0 =	sne.s32 s9, $0xF0;
	v10 =	vld [tilespmem:s5+$0xA00];
	v4 =	vadd.s32 v4, v9;
	v2 =	vadd.s32 v3, v2  }
0x1ef: {  	v3 =	vld [tilespmem:s5+$0xA80];
	v4 =	vadd.s32 v5, v4  }
0x1f0: {  	v5 =	vld [tilespmem:s5+$0xB00];
	v4 =	vadd.s32 v6, v4  }
0x1f1: {  	v6 =	vld [tilespmem:s5+$0xB80];
	v4 =	vadd.s32 v7, v4  }
0x1f2: {  	v7 =	vld [tilespmem:s5+$0xC00];
	v4 =	vadd.s32 v8, v4  }
0x1f3: {  	s10 =	sor.u32 s7, s6;
	s6 =	smov.u32 s9;
	v8 =	vld [tilespmem:s5+$0xC80];
	(xrf0) =	vadd.scan.msk.s32 $0xffff, v4  }
0x1f4: {  	s10 =	sor.u32 $0x380, s10;
	v3 =	vadd.s32 v10, v3;
	v4 =	vld [tilespmem:s5+$0xD00]  }
0x1f5: {  	v3 =	vadd.s32 v5, v3;
	v5 =	vld [tilespmem:s10+$0xA00]  }
0x1f6: {  	v3 =	vadd.s32 v6, v3;
	v6 =	vld [tilespmem:s5+$0x1200]  }
0x1f7: {  	v3 =	vadd.s32 v7, v3;
	v7 =	vld [tilespmem:s5+$0x1280]  }
0x1f8: {  	v3 =	vadd.s32 v8, v3;
	v8 =	vld [tilespmem:s5+$0x1300]  }
.Ltmp7:
0x1f9: {  	v3 =	vadd.s32 v4, v3;
	v4 =	vld [tilespmem:s5+$0x1380];
	v9, _, _ =	vpop (xrf0);
	s10 =	spop (v2sf);
	(pc) =	sbr.rel @p0 .LBB2_15-.Ltmp7, $4  }
0x1fa: {  	v3 =	vadd.s32 v5, v3;
	v5 =	vld [tilespmem:s5+$0x1400];
	(v2sf) =	vpush v9, $0xF;
	s4 =	sadd.s32 s4, s10  }
0x1fb: {  	s7 =	sadd.s32 $0x80, s7;
	v3 =	vadd.s32 v6, v3;
	v6 =	vld [tilespmem:s5+$0x1480];
	v9 =	vadd.s32 s4, v9  }
0x1fc: {  	s11 =	sand.u32 $0x400, s7;
	s10 =	sand.u32 $0x70, s9;
	v3 =	vadd.s32 v7, v3;
	v7 =	vld [tilespmem:s5+$0x1500];
	vm0 =	vle.s32 v9, v0  }
0x1fd: {  	s9 =	sadd.s32 $0x10, s9;
	v9 =	vadd.s32 v8, v3;
	v8 =	vld [tilespmem:s5+$0x1580];
	s5 =	sor.u32 s10, s11;
	v3 =	vsel vm0, $0x1, v1  }
0x1fe: {  	v4 =	vadd.s32 v4, v9  }
0x1ff: {  	v45 =	vld [tilespmem:s5+$0xA00];
	v4 =	vadd.s32 v5, v4  }
0x200: {  	v46 =	vld [tilespmem:s5+$0xA80];
	v4 =	vadd.s32 v6, v4  }
0x201: {  	v47 =	vld [tilespmem:s5+$0xB00];
	v4 =	vadd.s32 v7, v4  }
0x202: {  	v48 =	vld [tilespmem:s5+$0xB80];
	v4 =	vadd.s32 v8, v4  }
0x203: {  	v49 =	vld [tilespmem:s5+$0xC00];
	(xrf0) =	vadd.scan.msk.s32 $0xffff, v4  }
0x204: {  	v50 =	vld [tilespmem:s5+$0xC80];
	s6 =	sor.u32 s7, s6  }
0x205: {  	v51 =	vld [tilespmem:s5+$0xD00];
	s6 =	sor.u32 $0x380, s6;
	v5 =	vadd.s32 v45, v46  }
0x206: {  	v52 =	vld [tilespmem:s6+$0xA00];
	v5 =	vadd.s32 v47, v5  }
0x207: {  	v53 =	vld [tilespmem:s5+$0x1200];
	v5 =	vadd.s32 v48, v5  }
0x208: {  	v54 =	vld [tilespmem:s5+$0x1280];
	v5 =	vadd.s32 v49, v5  }
0x209: {  	v55 =	vld [tilespmem:s5+$0x1300];
	v4 =	vadd.s32 v50, v5;
	v10, _, _ =	vpop (xrf0)  }
0x20a: {  	v56 =	vld [tilespmem:s5+$0x1380];
	v4 =	vadd.s32 v51, v4;
	(v2sf) =	vpush v10, $0xF  }
0x20b: {  	v57 =	vld [tilespmem:s5+$0x1400];
	v4 =	vadd.s32 v52, v4  }
0x20c: {  	v58 =	vld [tilespmem:s5+$0x1480];
	v4 =	vadd.s32 v53, v4  }
0x20d: {  	v59 =	vld [tilespmem:s5+$0x1500];
	v4 =	vadd.s32 v54, v4  }
0x20e: {  	v60 =	vld [tilespmem:s5+$0x1580];
	v4 =	vadd.s32 v55, v4  }
0x20f: {  	v4 =	vadd.s32 v56, v4  }
0x210: {  	v4 =	vadd.s32 v57, v4  }
0x211: {  	v4 =	vadd.s32 v58, v4  }
0x212: {  	v4 =	vadd.s32 v59, v4  }
0x213: {  	v4 =	vadd.s32 v60, v4  }
0x214: {  	(xrf0) =	vadd.scan.msk.s32 $0xffff, v4;
	_ =	sdelay $0x3  }
0x215: {  	s26 =	spop (v2sf)  }
0x216: {  	s4 =	sadd.s32 s4, s26;
	s28 =	spop (v2sf)  }
0x217: {  	v61 =	vadd.s32 s4, v10;
	v62, _, _ =	vpop (xrf0);
	s4 =	sadd.s32 s4, s28  }
0x218: {  	vm0 =	vle.s32 v61, v0;
	v63 =	vadd.s32 s4, v62  }
0x219: {  	v2 =	vadd.s32 v3, v2;
	v3 =	vsel vm0, $0x1, v1;
	vm11 =	vle.s32 v63, v0  }
0x21a: {  	v0 =	vadd.s32 v3, v2;
	v1 =	vsel vm11, $0x1, v1  }
0x21b: {  	v0 =	vadd.s32 v1, v0  }
0x21c: {  	(xrf0) =	vadd.scan.msk.s32 $0xffff, v0;
	_ =	sdelay $0x5  }
0x21d: {  	(v2sf) =	vpush v62, $0xF;
	v0, _, _ =	vpop (xrf0)  }
0x21e: {  	(v2sf) =	vpush v0, $0xF;
	_ =	sdelay $0xb  }
0x21f: {  	s29 =	simm.s32 $0x120  }
0x220: {  	v2 =	vld [tilespmem:s29+$0xFFFFFFE0]  }
0x221: {  	s30 =	spop (v2sf)  }
0x222: {  	s31 =	sshll.u32 s8, $0x8;
	s4 =	spop (v2sf)  }
0x223: {  	s4 =	sor.u32 s31, s4  }
0x224: {  	v0 =	vmov s4  }
0x225: {  	v1 =	vimm.f32 $0.0e+00;
	vm12 =	vgt.s32 v2, v0  }
0x226: {  	s4 =	simm.s32 $0x1A20;
	v2 =	vsel vm12, $0x3F800000, v1  }
0x227: {  	[tilespmem:s4+$0xFFFFFFE0] =	vst v2  }
0x228: {  	v2 =	vld [tilespmem:s29+$0xFFFFFFF0];
	_ =	sdelay $0x4  }
0x229: {  	vm13 =	vgt.s32 v2, v0  }
0x22a: {  	v2 =	vsel vm13, $0x3F800000, v1  }
0x22b: {  	[tilespmem:s4+$0xFFFFFFF0] =	vst v2  }
0x22c: {  	v2 =	vld [tilespmem:s29+$0x0];
	_ =	sdelay $0x4  }
0x22d: {  	vm14 =	vgt.s32 v2, v0  }
0x22e: {  	v2 =	vsel vm14, $0x3F800000, v1  }
0x22f: {  	[tilespmem:s4+$0x0] =	vst v2  }
0x230: {  	v2 =	vld [tilespmem:s29+$0x10];
	_ =	sdelay $0x4  }
0x231: {  	vm15 =	vgt.s32 v2, v0  }
0x232: {  	v2 =	vsel vm15, $0x3F800000, v1  }
0x233: {  	s5 =	simm.s32 $0x0;
	s6 =	simm.s32 $0x160;
	[tilespmem:s4+$0x10] =	vst v2  }
.LBB2_17:
0x234: {  	v2 =	vld [tilespmem:s6+$0xFFFFFFE0];
	s5 =	sadd.s32 $0x4, s5  }
0x235: {  	p0 =	slt.u32 s5, $0x7C;
	_ =	sdelay $0x3  }
0x236: {  	vm0 =	vgt.s32 v2, v0  }
0x237: {  	s4 =	sadd.s32 $0x40, s4;
	v2 =	vsel vm0, $0x3F800000, v1  }
0x238: {  	[tilespmem:s4+$0xFFFFFFE0] =	vst v2  }
0x239: {  	v2 =	vld [tilespmem:s6+$0xFFFFFFF0];
	_ =	sdelay $0x4  }
0x23a: {  	vm0 =	vgt.s32 v2, v0  }
0x23b: {  	v2 =	vsel vm0, $0x3F800000, v1  }
0x23c: {  	[tilespmem:s4+$0xFFFFFFF0] =	vst v2  }
0x23d: {  	v2 =	vld [tilespmem:s6+$0x0];
	_ =	sdelay $0x4  }
0x23e: {  	vm0 =	vgt.s32 v2, v0  }
0x23f: {  	v2 =	vsel vm0, $0x3F800000, v1  }
0x240: {  	[tilespmem:s4+$0x0] =	vst v2  }
0x241: {  	v2 =	vld [tilespmem:s6+$0x10];
	_ =	sdelay $0x2  }
.Ltmp8:
0x242: {  	(pc) =	sbr.rel @p0 .LBB2_17-.Ltmp8, $4  }
0x243: {  	_ = 	snop  }
0x244: {  	vm0 =	vgt.s32 v2, v0  }
0x245: {  	v2 =	vsel vm0, $0x3F800000, v1  }
0x246: {  	s6 =	sadd.s32 $0x40, s6;
	[tilespmem:s4+$0x10] =	vst v2  }
0x247: {  	s2 =	sadd.s32 s2, s3  }
0x248: {  	s30 =	simm.s32 $0x0;
	s4 =	simm.s32 $0x1A00;
	s31 =	simm.s32 $0x1  }
0x249: {  	[hbm4b:s2+s30] =	stream.linear.scatter [tilespmem:s4], [sflag:$0x1], $0x800, $0x38;
	[tilespmem:$0x2200] =	vst v63  }
0x24a: {  	_ =	swait.ge [sflag:s31], $0x800  }
0x24b: {  	[sflag:s31] =	ssyncset.done $0x0  }
0x24c: {  	[sflag:s31] =	ssyncadd.s32 $0xFFFFF800  }
0x24d: {  	_ =	sfence.sel $0x180000  }
0x24e: {  	[bflag:$0x0] =	sbarrier.arrive $0xFFFF  }
0x24f: {  	p0 =	sne.s32 s1, $0x0;
	_ =	strace $0x90000047  }
0x250: {  	s0 =	sadd.s32 @!p0 $0x100000, s0;
	[bflag:$0x2] =	sbarrier.arrive $0xFFFF  }
0x251: {  	[sflag:s0] =	ssyncadd.tile.s32 @!p0 $0x1;
	_ =	shalt  }
.Lfunc_end2:
_tile_overlayer_lowered:
.L_overlay_start_2:
0x252: {  	(tag) =	ssettag $0x2  }
0x253: {  	s0 =	rddreg [dreg:$0x0];
	s2 =	stileid.u32  }
0x254: {  	s1 =	rddreg [dreg:$0x1];
	p0 =	sne.s32 s2, $0x0  }
0x255: {  	s3 =	rddreg [dreg:$0x2];
	[bflag:$0x3] =	sbarrier.arrive $0xFFFF;
	s2 =	simm.s32 @!p0 $0x1C01  }
0x256: {  	[timem:s3], [sflag:s2] =	dma.local @!p0 [hbm:s0], s1  }
0x257: {  	s0 =	simm.s32 @!p0 $0x1  }
0x258: {  	_ =	swait.ge @!p0 [sflag:s0], s1  }
0x259: {  	s1 =	ssub.s32 @!p0 $0x0, s1;
	[sflag:s0] =	ssyncset.done @!p0 $0x0  }
0x25a: {  	[sflag:s0] =	ssyncadd.s32 @!p0 s1  }
0x25b: {  	[bflag:$0x3] =	sbarrier.arrive $0xFFFF  }
0x25c: {  	_ =	shalt  }

</sc_bundles>
